<compile_context>
chip_gen: v7x
topology: tpu7x:2x2x1
jax: 0.10.2.dev20260603
libtpu: 0.0.44.dev20260713+nightly
codegen_flags: <defaults>
</compile_context>

<pallas_src>
import functools

import jax
import jax.numpy as jnp
from jax import lax
from jax.experimental import pallas as pl
from jax.experimental.pallas import tpu as pltpu
from jax.experimental.pallas import tpu_sc as plsc

L = 16
NC, NS = 2, 16
NW = NC * NS
C = 2048
ROWS = 16
ROW = C // ROWS


def _sc_lookup(xyz_flat, words, par, n_points, g0, g1, g2):
    pw = n_points // NW
    nch = pw // C
    hi1 = g1 * g2
    hi2 = g2
    n_words = (g0 * g1 * g2) // 4
    fhi0 = float(g0) - 0.5
    fhi1 = float(g1) - 0.5
    fhi2 = float(g2) - 0.5

    mesh = plsc.VectorSubcoreMesh(core_axis_name="c", subcore_axis_name="s")

    @functools.partial(
        pl.kernel,
        mesh=mesh,
        out_type=jax.ShapeDtypeStruct((n_points // 4,), jnp.int32),
        compiler_params=pltpu.CompilerParams(needs_layout_passes=False),
        scratch_types=[
            pltpu.VMEM((3 * C,), jnp.float32),
            pltpu.VMEM((ROWS, ROW), jnp.int32),
            pltpu.VMEM((C,), jnp.int32),
            pltpu.VMEM((C,), jnp.int32),
            pltpu.VMEM((C // 4,), jnp.int32),
            pltpu.VMEM((L,), jnp.float32),
            pltpu.SemaphoreType.DMA,
        ],
    )
    def k(xyz_hbm, words_hbm, par_hbm, out_hbm,
          xyz_v, idx_v, gath_v, aux_v, out_v, par_v, sem):
        wid = lax.axis_index("s") * NC + lax.axis_index("c")
        pltpu.sync_copy(par_hbm, par_v)
        pars = par_v[...]
        sx, sy, sz = pars[0], pars[1], pars[2]
        hx, hy, hz = pars[3], pars[4], pars[5]
        base0 = wid * pw
        lanes = lax.iota(jnp.int32, L)

        def chunk_body(t, _):
            base = base0 + t * C
            pltpu.sync_copy(
                xyz_hbm.at[pl.ds(pl.multiple_of(base * 3, 8), 3 * C)], xyz_v)

            def row_a(j, _):
                for o in range(ROW // L):
                    p3 = (j * ROW + o * L) * 3 + lanes * 3
                    x = plsc.load_gather(xyz_v, [p3])
                    y = plsc.load_gather(xyz_v, [p3 + 1])
                    z = plsc.load_gather(xyz_v, [p3 + 2])
                    vx = x * sx + hx
                    vy = y * sy + hy
                    vz = z * sz + hz
                    inb = ((vx >= -0.5) & (vx < fhi0)
                           & (vy >= -0.5) & (vy < fhi1)
                           & (vz >= -0.5) & (vz < fhi2))
                    ix = (vx + 0.5).astype(jnp.int32)
                    iy = (vy + 0.5).astype(jnp.int32)
                    iz = (vz + 0.5).astype(jnp.int32)
                    lin = ix * hi1 + iy * hi2 + iz
                    widx = jnp.minimum(jnp.maximum(lin >> 2, 0), n_words - 1)
                    aux = ((lin & 3) << 3) | jnp.where(inb, 32, 0)
                    idx_v[j, pl.ds(o * L, L)] = widx
                    aux_v[pl.ds(j * ROW + o * L, L)] = aux
                return 0

            lax.fori_loop(0, ROWS, row_a, 0)

            copies = [
                pltpu.async_copy(words_hbm.at[idx_v.at[j]],
                                 gath_v.at[pl.ds(j * ROW, ROW)], sem)
                for j in range(ROWS)
            ]
            for cp in copies:
                cp.wait()

            def row_c(j, _):
                for h in range(ROW // (4 * L)):
                    pb = j * ROW + h * 4 * L
                    bits = []
                    for s in range(4):
                        pidx = pb + s + lanes * 4
                        w = plsc.load_gather(gath_v, [pidx])
                        a = plsc.load_gather(aux_v, [pidx])
                        bits.append((w >> (a & 31)) & (a >> 5))
                    packed = (bits[0] | (bits[1] << 8)
                              | (bits[2] << 16) | (bits[3] << 24))
                    out_v[pl.ds((pb >> 2), L)] = packed
                return 0

            lax.fori_loop(0, ROWS, row_c, 0)
            pltpu.sync_copy(
                out_v,
                out_hbm.at[pl.ds(pl.multiple_of(base0 // 4 + t * (C // 4), 8),
                                 C // 4)])
            return 0

        lax.fori_loop(0, nch, chunk_body, 0)

    return k(xyz_flat, words, par)


def kernel(xyz, mask, xyz2ijk_scale, xyz2ijk_shift):
    g0, g1, g2 = mask.shape
    shape = xyz.shape[:-1]
    n_points = xyz.size // 3
    xyz_flat = xyz.reshape(-1)
    words = jax.lax.bitcast_convert_type(
        mask.astype(jnp.uint8).reshape(-1, 4), jnp.int32)
    par = jnp.concatenate(
        [xyz2ijk_scale.astype(jnp.float32),
         xyz2ijk_shift.astype(jnp.float32),
         jnp.zeros((10,), jnp.float32)])
    out_words = _sc_lookup(xyz_flat, words, par, n_points, g0, g1, g2)
    out_bytes = jax.lax.bitcast_convert_type(out_words, jnp.uint8)
    return out_bytes.reshape(shape).astype(jnp.bool_)

# --- scband reference (transcript-rebuilt; emitter-appended) ---
"""Pipeline reference for scband-mask-grid-7241314861259 (READ-ONLY COPY).

The authoritative reference and input builder live on the scoring server;
editing this copy changes nothing except your own understanding.
"""

import jax, jax.numpy as jnp
import numpy as np

G = 256  # occupancy grid resolution (realistic DVGO-scale mask)
N_RAYS = 8192
N_SAMPLES = 512


def setup_inputs(seed: int = 0) -> dict:
    key = jax.random.key(seed)
    k1, k2 = jax.random.split(key)
    # boolean occupancy mask grid (buffer built in __init__ in the torch module)
    mask = jax.random.uniform(k1, (G, G, G), dtype=jnp.float32) < 0.3
    # query points in global coords; include some out-of-bounds points like real ray samples
    xyz = jax.random.uniform(k2, (N_RAYS, N_SAMPLES, 3), minval=-0.1, maxval=1.1, dtype=jnp.float32)
    xyz_min = jnp.zeros((3,), jnp.float32)
    xyz_max = jnp.ones((3,), jnp.float32)
    xyz2ijk_scale = (jnp.array([G, G, G], jnp.float32) - 1.0) / (xyz_max - xyz_min)
    xyz2ijk_shift = -xyz_min * xyz2ijk_scale
    return {"xyz": xyz, "mask": mask, "xyz2ijk_scale": xyz2ijk_scale, "xyz2ijk_shift": xyz2ijk_shift}


def reference(xyz, mask, xyz2ijk_scale, xyz2ijk_shift):
    # Faithful port of render_utils_cuda.maskcache_lookup:
    #   ijk = round(xyz * scale + shift); out-of-bounds -> False; else mask[i,j,k]
    shape = xyz.shape[:-1]
    flat = xyz.reshape(-1, 3)
    ijk = jnp.round(flat * xyz2ijk_scale[None, :] + xyz2ijk_shift[None, :]).astype(jnp.int32)
    gs = jnp.array(mask.shape, jnp.int32)
    in_bounds = jnp.all((ijk >= 0) & (ijk < gs[None, :]), axis=-1)
    c = jnp.clip(ijk, 0, gs[None, :] - 1)
    vals = mask[c[:, 0], c[:, 1], c[:, 2]]
    out = jnp.where(in_bounds, vals, False)
    return out.reshape(shape)

if __name__ == "__main__":
    import jax
    _d = setup_inputs()
    print(jax.jit(kernel)(*tuple(_d.values())))

</pallas_src>

<mosaic_0001>
#map = affine_map<(d0, d1) -> (0)>
module attributes {stable_mosaic.version = 14 : i64} {
  func.func @k(%arg0: i32, %arg1: i32, %arg2: memref<12582912xf32, #tpu.memory_space<hbm>>, %arg3: memref<4194304xi32, #tpu.memory_space<hbm>>, %arg4: memref<16xf32, #tpu.memory_space<hbm>>, %arg5: memref<1048576xi32, #tpu.memory_space<hbm>>, %arg6: memref<6144xf32, #tpu.memory_space<vmem>>, %arg7: memref<16x128xi32, #tpu.memory_space<vmem>>, %arg8: memref<2048xi32, #tpu.memory_space<vmem>>, %arg9: memref<2048xi32, #tpu.memory_space<vmem>>, %arg10: memref<512xi32, #tpu.memory_space<vmem>>, %arg11: memref<16xf32, #tpu.memory_space<vmem>>, %arg12: memref<!tpu.dma_semaphore, #tpu.memory_space<semaphore_mem>>) attributes {dimension_semantics = [#tpu.dimension_semantics<core_parallel>, #tpu.dimension_semantics<subcore_parallel>], iteration_bounds = array<i64: 2, 16>, scalar_prefetch = 0 : i64, scratch_operands = 7 : i64, tpu.core_type = #tpu.core_type<sc_vector_subcore>, window_params = [{transform_indices = #map}, {transform_indices = #map}, {transform_indices = #map}, {transform_indices = #map}]} {
    %mul3A = arith.constant 2 : i32
    %mul3A_0 = arith.muli %arg1, %mul3A : i32
    %add3A = arith.addi %mul3A_0, %arg0 : i32
    "tpu.region"() ({
      %run_scoped3A = tpu.sem_alloc : memref<!tpu.dma_semaphore, #tpu.memory_space<semaphore_mem>>
      tpu.enqueue_dma source(%arg4 : memref<16xf32, #tpu.memory_space<hbm>>) target(%arg11 : memref<16xf32, #tpu.memory_space<vmem>>) target_semaphore(%run_scoped3A : memref<!tpu.dma_semaphore, #tpu.memory_space<semaphore_mem>>)
      tpu.wait_dma2 semaphore(%run_scoped3A : memref<!tpu.dma_semaphore, #tpu.memory_space<semaphore_mem>>) src(%arg4 : memref<16xf32, #tpu.memory_space<hbm>>) dst(%arg11 : memref<16xf32, #tpu.memory_space<vmem>>)
      tpu.yield
    }) : () -> ()
    %get3A = arith.constant 0 : index
    %get3A_1 = tpu.vector_load %arg11[%get3A] {strides = array<i32>} : memref<16xf32, #tpu.memory_space<vmem>>, vector<16xf32>,
    %slice3A = vector.extract_strided_slice %get3A_1 {offsets = [0], sizes = [1], strides = [1]} : vector<16xf32> to vector<1xf32>
    %squeeze3A = vector.extract %slice3A[0] : f32 from vector<1xf32>
    %slice3A_2 = vector.extract_strided_slice %get3A_1 {offsets = [1], sizes = [1], strides = [1]} : vector<16xf32> to vector<1xf32>
    %squeeze3A_3 = vector.extract %slice3A_2[0] : f32 from vector<1xf32>
    %slice3A_4 = vector.extract_strided_slice %get3A_1 {offsets = [2], sizes = [1], strides = [1]} : vector<16xf32> to vector<1xf32>
    %squeeze3A_5 = vector.extract %slice3A_4[0] : f32 from vector<1xf32>
    %slice3A_6 = vector.extract_strided_slice %get3A_1 {offsets = [3], sizes = [1], strides = [1]} : vector<16xf32> to vector<1xf32>
    %squeeze3A_7 = vector.extract %slice3A_6[0] : f32 from vector<1xf32>
    %slice3A_8 = vector.extract_strided_slice %get3A_1 {offsets = [4], sizes = [1], strides = [1]} : vector<16xf32> to vector<1xf32>
    %squeeze3A_9 = vector.extract %slice3A_8[0] : f32 from vector<1xf32>
    %slice3A_10 = vector.extract_strided_slice %get3A_1 {offsets = [5], sizes = [1], strides = [1]} : vector<16xf32> to vector<1xf32>
    %squeeze3A_11 = vector.extract %slice3A_10[0] : f32 from vector<1xf32>
    %mul3A_12 = arith.constant 131072 : i32
    %mul3A_13 = arith.muli %add3A, %mul3A_12 : i32
    %iota3A = tpu.iota {dimensions = array<i32: 0>} : vector<16xi32>
    %scan3A = arith.constant 0 : i32
    %scan3A_14 = arith.constant 0 : i32
    %scan3A_15 = arith.constant 64 : i32
    %scan3A_16 = arith.addi %scan3A_14, %scan3A_15 : i32
    %scan3A_17 = arith.constant 1 : i32
    %scan3A_18 = scf.for %scan3A_20 = %scan3A_14 to %scan3A_16 step %scan3A_17 iter_args(%scan3A_21 = %scan3A) -> (i32)  : i32 {
      %mul3A_22 = arith.constant 2048 : i32
      %mul3A_23 = arith.muli %scan3A_20, %mul3A_22 : i32
      %add3A_24 = arith.addi %mul3A_13, %mul3A_23 : i32
      %mul3A_25 = arith.constant 3 : i32
      %mul3A_26 = arith.muli %add3A_24, %mul3A_25 : i32
      %multiple_of3A = tpu.assume_multiple %mul3A_26, 8 : i32
      "tpu.region"() ({
        %run_scoped3A = tpu.sem_alloc : memref<!tpu.dma_semaphore, #tpu.memory_space<semaphore_mem>>
        %dma_start3A_316 = tpu.memref_slice %arg2[%multiple_of3A] : memref<12582912xf32, #tpu.memory_space<hbm>> -> memref<6144xf32, #tpu.memory_space<hbm>>
        %dma_start3A_317 = tpu.memref_slice %arg2[%multiple_of3A] : memref<12582912xf32, #tpu.memory_space<hbm>> -> memref<6144xf32, #tpu.memory_space<hbm>>
        tpu.enqueue_dma source(%dma_start3A_317 : memref<6144xf32, #tpu.memory_space<hbm>>) target(%arg6 : memref<6144xf32, #tpu.memory_space<vmem>>) target_semaphore(%run_scoped3A : memref<!tpu.dma_semaphore, #tpu.memory_space<semaphore_mem>>)
        %dma_wait3A_318 = tpu.memref_slice %arg2[%multiple_of3A] : memref<12582912xf32, #tpu.memory_space<hbm>> -> memref<6144xf32, #tpu.memory_space<hbm>>
        %dma_wait3A_319 = tpu.memref_slice %arg2[%multiple_of3A] : memref<12582912xf32, #tpu.memory_space<hbm>> -> memref<6144xf32, #tpu.memory_space<hbm>>
        tpu.wait_dma2 semaphore(%run_scoped3A : memref<!tpu.dma_semaphore, #tpu.memory_space<semaphore_mem>>) src(%dma_wait3A_319 : memref<6144xf32, #tpu.memory_space<hbm>>) dst(%arg6 : memref<6144xf32, #tpu.memory_space<vmem>>)
        tpu.yield
      }) : () -> ()
      %scan3A_27 = arith.constant 0 : i32
      %scan3A_28 = arith.constant 0 : i32
      %scan3A_29 = arith.constant 16 : i32
      %scan3A_30 = arith.addi %scan3A_28, %scan3A_29 : i32
      %scan3A_31 = arith.constant 1 : i32
      %scan3A_32 = scf.for %scan3A_316 = %scan3A_28 to %scan3A_30 step %scan3A_31 iter_args(%scan3A_317 = %scan3A_27) -> (i32)  : i32 {
        %mul3A_318 = arith.constant 128 : i32
        %mul3A_319 = arith.muli %scan3A_316, %mul3A_318 : i32
        %add3A_320 = arith.constant 0 : i32
        %add3A_321 = arith.addi %mul3A_319, %add3A_320 : i32
        %mul3A_322 = arith.constant 3 : i32
        %mul3A_323 = arith.muli %add3A_321, %mul3A_322 : i32
        %mul3A_324 = arith.constant 3 : i32
        %mul3A_325 = vector.broadcast %mul3A_324 : i32 to vector<16xi32>
        %mul3A_326 = arith.muli %iota3A, %mul3A_325 : vector<16xi32>
        %add3A_327 = vector.broadcast %mul3A_323 : i32 to vector<16xi32>
        %add3A_328 = arith.addi %add3A_327, %mul3A_326 : vector<16xi32>
        %gather3A = tpu.vector_load_idx %arg6[%add3A_328] : memref<6144xf32, #tpu.memory_space<vmem>>[vector<16xi32>], vector<16xf32>,
        %add3A_329 = arith.constant 1 : i32
        %add3A_330 = vector.broadcast %add3A_329 : i32 to vector<16xi32>
        %add3A_331 = arith.addi %add3A_328, %add3A_330 : vector<16xi32>
        %gather3A_332 = tpu.vector_load_idx %arg6[%add3A_331] : memref<6144xf32, #tpu.memory_space<vmem>>[vector<16xi32>], vector<16xf32>,
        %add3A_333 = arith.constant 2 : i32
        %add3A_334 = vector.broadcast %add3A_333 : i32 to vector<16xi32>
        %add3A_335 = arith.addi %add3A_328, %add3A_334 : vector<16xi32>
        %gather3A_336 = tpu.vector_load_idx %arg6[%add3A_335] : memref<6144xf32, #tpu.memory_space<vmem>>[vector<16xi32>], vector<16xf32>,
        %mul3A_337 = vector.broadcast %squeeze3A : f32 to vector<16xf32>
        %mul3A_338 = arith.mulf %gather3A, %mul3A_337 : vector<16xf32>
        %add3A_339 = vector.broadcast %squeeze3A_7 : f32 to vector<16xf32>
        %add3A_340 = arith.addf %mul3A_338, %add3A_339 : vector<16xf32>
        %mul3A_341 = vector.broadcast %squeeze3A_3 : f32 to vector<16xf32>
        %mul3A_342 = arith.mulf %gather3A_332, %mul3A_341 : vector<16xf32>
        %add3A_343 = vector.broadcast %squeeze3A_9 : f32 to vector<16xf32>
        %add3A_344 = arith.addf %mul3A_342, %add3A_343 : vector<16xf32>
        %mul3A_345 = vector.broadcast %squeeze3A_5 : f32 to vector<16xf32>
        %mul3A_346 = arith.mulf %gather3A_336, %mul3A_345 : vector<16xf32>
        %add3A_347 = vector.broadcast %squeeze3A_11 : f32 to vector<16xf32>
        %add3A_348 = arith.addf %mul3A_346, %add3A_347 : vector<16xf32>
        %ge3A = arith.constant -5.000000e-01 : f32
        %ge3A_349 = vector.broadcast %ge3A : f32 to vector<16xf32>
        %ge3A_350 = arith.cmpf oge, %add3A_340, %ge3A_349 : vector<16xf32>
        %lt3A = arith.constant 2.555000e+02 : f32
        %lt3A_351 = vector.broadcast %lt3A : f32 to vector<16xf32>
        %lt3A_352 = arith.cmpf olt, %add3A_340, %lt3A_351 : vector<16xf32>
        %and3A_353 = arith.andi %ge3A_350, %lt3A_352 : vector<16xi1>
        %ge3A_354 = arith.constant -5.000000e-01 : f32
        %ge3A_355 = vector.broadcast %ge3A_354 : f32 to vector<16xf32>
        %ge3A_356 = arith.cmpf oge, %add3A_344, %ge3A_355 : vector<16xf32>
        %and3A_357 = arith.andi %and3A_353, %ge3A_356 : vector<16xi1>
        %lt3A_358 = arith.constant 2.555000e+02 : f32
        %lt3A_359 = vector.broadcast %lt3A_358 : f32 to vector<16xf32>
        %lt3A_360 = arith.cmpf olt, %add3A_344, %lt3A_359 : vector<16xf32>
        %and3A_361 = arith.andi %and3A_357, %lt3A_360 : vector<16xi1>
        %ge3A_362 = arith.constant -5.000000e-01 : f32
        %ge3A_363 = vector.broadcast %ge3A_362 : f32 to vector<16xf32>
        %ge3A_364 = arith.cmpf oge, %add3A_348, %ge3A_363 : vector<16xf32>
        %and3A_365 = arith.andi %and3A_361, %ge3A_364 : vector<16xi1>
        %lt3A_366 = arith.constant 2.555000e+02 : f32
        %lt3A_367 = vector.broadcast %lt3A_366 : f32 to vector<16xf32>
        %lt3A_368 = arith.cmpf olt, %add3A_348, %lt3A_367 : vector<16xf32>
        %and3A_369 = arith.andi %and3A_365, %lt3A_368 : vector<16xi1>
        %add3A_370 = arith.constant 5.000000e-01 : f32
        %add3A_371 = vector.broadcast %add3A_370 : f32 to vector<16xf32>
        %add3A_372 = arith.addf %add3A_340, %add3A_371 : vector<16xf32>
        %convert_element_type3A = arith.fptosi %add3A_372 : vector<16xf32> to vector<16xi32>
        %add3A_373 = arith.constant 5.000000e-01 : f32
        %add3A_374 = vector.broadcast %add3A_373 : f32 to vector<16xf32>
        %add3A_375 = arith.addf %add3A_344, %add3A_374 : vector<16xf32>
        %convert_element_type3A_376 = arith.fptosi %add3A_375 : vector<16xf32> to vector<16xi32>
        %add3A_377 = arith.constant 5.000000e-01 : f32
        %add3A_378 = vector.broadcast %add3A_377 : f32 to vector<16xf32>
        %add3A_379 = arith.addf %add3A_348, %add3A_378 : vector<16xf32>
        %convert_element_type3A_380 = arith.fptosi %add3A_379 : vector<16xf32> to vector<16xi32>
        %mul3A_381 = arith.constant 65536 : i32
        %mul3A_382 = vector.broadcast %mul3A_381 : i32 to vector<16xi32>
        %mul3A_383 = arith.muli %convert_element_type3A, %mul3A_382 : vector<16xi32>
        %mul3A_384 = arith.constant 256 : i32
        %mul3A_385 = vector.broadcast %mul3A_384 : i32 to vector<16xi32>
        %mul3A_386 = arith.muli %convert_element_type3A_376, %mul3A_385 : vector<16xi32>
        %add3A_387 = arith.addi %mul3A_383, %mul3A_386 : vector<16xi32>
        %add3A_388 = arith.addi %add3A_387, %convert_element_type3A_380 : vector<16xi32>
        %shift_right_arithmetic3A = arith.constant 2 : i32
        %shift_right_arithmetic3A_389 = vector.broadcast %shift_right_arithmetic3A : i32 to vector<16xi32>
        %shift_right_arithmetic3A_390 = arith.shrsi %add3A_388, %shift_right_arithmetic3A_389 : vector<16xi32>
        %max3A = arith.constant 0 : i32
        %max3A_391 = vector.broadcast %max3A : i32 to vector<16xi32>
        %max3A_392 = arith.maxsi %shift_right_arithmetic3A_390, %max3A_391 : vector<16xi32>
        %min3A = arith.constant 4194303 : i32
        %min3A_393 = vector.broadcast %min3A : i32 to vector<16xi32>
        %min3A_394 = arith.minsi %max3A_392, %min3A_393 : vector<16xi32>
        %and3A_395 = arith.constant 3 : i32
        %and3A_396 = vector.broadcast %and3A_395 : i32 to vector<16xi32>
        %and3A_397 = arith.andi %add3A_388, %and3A_396 : vector<16xi32>
        %shift_left3A = arith.constant 3 : i32
        %shift_left3A_398 = vector.broadcast %shift_left3A : i32 to vector<16xi32>
        %shift_left3A_399 = arith.shli %and3A_397, %shift_left3A_398 : vector<16xi32>
        %jit3A_400 = arith.constant 32 : i32
        %jit3A_401 = arith.constant 0 : i32
        %broadcast_in_dim3A = vector.broadcast %jit3A_400 : i32 to vector<16xi32>
        %broadcast_in_dim3A_402 = vector.broadcast %jit3A_401 : i32 to vector<16xi32>
        %select_n3A_403 = arith.select %and3A_369, %broadcast_in_dim3A, %broadcast_in_dim3A_402 : vector<16xi1>, vector<16xi32>
        %or3A = arith.ori %shift_left3A_399, %select_n3A_403 : vector<16xi32>
        %swap3A = arith.index_cast %scan3A_316 : i32 to index
        %swap3A_404 = arith.constant 0 : index
        %swap3A_405 = tpu.vector_load %arg7[%swap3A, %swap3A_404] {strides = array<i32>} : memref<16x128xi32, #tpu.memory_space<vmem>>, vector<16xi32>,
        tpu.vector_store %arg7[%swap3A, %swap3A_404], %min3A_394 {strides = array<i32>} : memref<16x128xi32, #tpu.memory_space<vmem>>, vector<16xi32>,
        %mul3A_406 = arith.constant 128 : i32
        %mul3A_407 = arith.muli %scan3A_316, %mul3A_406 : i32
        %add3A_408 = arith.constant 0 : i32
        %add3A_409 = arith.addi %mul3A_407, %add3A_408 : i32
        %swap3A_410 = arith.index_cast %add3A_409 : i32 to index
        %swap3A_411 = tpu.vector_load %arg9[%swap3A_410] {strides = array<i32>} : memref<2048xi32, #tpu.memory_space<vmem>>, vector<16xi32>,
        tpu.vector_store %arg9[%swap3A_410], %or3A {strides = array<i32>} : memref<2048xi32, #tpu.memory_space<vmem>>, vector<16xi32>,
        %mul3A_412 = arith.constant 128 : i32
        %mul3A_413 = arith.muli %scan3A_316, %mul3A_412 : i32
        %add3A_414 = arith.constant 16 : i32
        %add3A_415 = arith.addi %mul3A_413, %add3A_414 : i32
        %mul3A_416 = arith.constant 3 : i32
        %mul3A_417 = arith.muli %add3A_415, %mul3A_416 : i32
        %mul3A_418 = arith.constant 3 : i32
        %mul3A_419 = vector.broadcast %mul3A_418 : i32 to vector<16xi32>
        %mul3A_420 = arith.muli %iota3A, %mul3A_419 : vector<16xi32>
        %add3A_421 = vector.broadcast %mul3A_417 : i32 to vector<16xi32>
        %add3A_422 = arith.addi %add3A_421, %mul3A_420 : vector<16xi32>
        %gather3A_423 = tpu.vector_load_idx %arg6[%add3A_422] : memref<6144xf32, #tpu.memory_space<vmem>>[vector<16xi32>], vector<16xf32>,
        %add3A_424 = arith.constant 1 : i32
        %add3A_425 = vector.broadcast %add3A_424 : i32 to vector<16xi32>
        %add3A_426 = arith.addi %add3A_422, %add3A_425 : vector<16xi32>
        %gather3A_427 = tpu.vector_load_idx %arg6[%add3A_426] : memref<6144xf32, #tpu.memory_space<vmem>>[vector<16xi32>], vector<16xf32>,
        %add3A_428 = arith.constant 2 : i32
        %add3A_429 = vector.broadcast %add3A_428 : i32 to vector<16xi32>
        %add3A_430 = arith.addi %add3A_422, %add3A_429 : vector<16xi32>
        %gather3A_431 = tpu.vector_load_idx %arg6[%add3A_430] : memref<6144xf32, #tpu.memory_space<vmem>>[vector<16xi32>], vector<16xf32>,
        %mul3A_432 = vector.broadcast %squeeze3A : f32 to vector<16xf32>
        %mul3A_433 = arith.mulf %gather3A_423, %mul3A_432 : vector<16xf32>
        %add3A_434 = vector.broadcast %squeeze3A_7 : f32 to vector<16xf32>
        %add3A_435 = arith.addf %mul3A_433, %add3A_434 : vector<16xf32>
        %mul3A_436 = vector.broadcast %squeeze3A_3 : f32 to vector<16xf32>
        %mul3A_437 = arith.mulf %gather3A_427, %mul3A_436 : vector<16xf32>
        %add3A_438 = vector.broadcast %squeeze3A_9 : f32 to vector<16xf32>
        %add3A_439 = arith.addf %mul3A_437, %add3A_438 : vector<16xf32>
        %mul3A_440 = vector.broadcast %squeeze3A_5 : f32 to vector<16xf32>
        %mul3A_441 = arith.mulf %gather3A_431, %mul3A_440 : vector<16xf32>
        %add3A_442 = vector.broadcast %squeeze3A_11 : f32 to vector<16xf32>
        %add3A_443 = arith.addf %mul3A_441, %add3A_442 : vector<16xf32>
        %ge3A_444 = arith.constant -5.000000e-01 : f32
        %ge3A_445 = vector.broadcast %ge3A_444 : f32 to vector<16xf32>
        %ge3A_446 = arith.cmpf oge, %add3A_435, %ge3A_445 : vector<16xf32>
        %lt3A_447 = arith.constant 2.555000e+02 : f32
        %lt3A_448 = vector.broadcast %lt3A_447 : f32 to vector<16xf32>
        %lt3A_449 = arith.cmpf olt, %add3A_435, %lt3A_448 : vector<16xf32>
        %and3A_450 = arith.andi %ge3A_446, %lt3A_449 : vector<16xi1>
        %ge3A_451 = arith.constant -5.000000e-01 : f32
        %ge3A_452 = vector.broadcast %ge3A_451 : f32 to vector<16xf32>
        %ge3A_453 = arith.cmpf oge, %add3A_439, %ge3A_452 : vector<16xf32>
        %and3A_454 = arith.andi %and3A_450, %ge3A_453 : vector<16xi1>
        %lt3A_455 = arith.constant 2.555000e+02 : f32
        %lt3A_456 = vector.broadcast %lt3A_455 : f32 to vector<16xf32>
        %lt3A_457 = arith.cmpf olt, %add3A_439, %lt3A_456 : vector<16xf32>
        %and3A_458 = arith.andi %and3A_454, %lt3A_457 : vector<16xi1>
        %ge3A_459 = arith.constant -5.000000e-01 : f32
        %ge3A_460 = vector.broadcast %ge3A_459 : f32 to vector<16xf32>
        %ge3A_461 = arith.cmpf oge, %add3A_443, %ge3A_460 : vector<16xf32>
        %and3A_462 = arith.andi %and3A_458, %ge3A_461 : vector<16xi1>
        %lt3A_463 = arith.constant 2.555000e+02 : f32
        %lt3A_464 = vector.broadcast %lt3A_463 : f32 to vector<16xf32>
        %lt3A_465 = arith.cmpf olt, %add3A_443, %lt3A_464 : vector<16xf32>
        %and3A_466 = arith.andi %and3A_462, %lt3A_465 : vector<16xi1>
        %add3A_467 = arith.constant 5.000000e-01 : f32
        %add3A_468 = vector.broadcast %add3A_467 : f32 to vector<16xf32>
        %add3A_469 = arith.addf %add3A_435, %add3A_468 : vector<16xf32>
        %convert_element_type3A_470 = arith.fptosi %add3A_469 : vector<16xf32> to vector<16xi32>
        %add3A_471 = arith.constant 5.000000e-01 : f32
        %add3A_472 = vector.broadcast %add3A_471 : f32 to vector<16xf32>
        %add3A_473 = arith.addf %add3A_439, %add3A_472 : vector<16xf32>
        %convert_element_type3A_474 = arith.fptosi %add3A_473 : vector<16xf32> to vector<16xi32>
        %add3A_475 = arith.constant 5.000000e-01 : f32
        %add3A_476 = vector.broadcast %add3A_475 : f32 to vector<16xf32>
        %add3A_477 = arith.addf %add3A_443, %add3A_476 : vector<16xf32>
        %convert_element_type3A_478 = arith.fptosi %add3A_477 : vector<16xf32> to vector<16xi32>
        %mul3A_479 = arith.constant 65536 : i32
        %mul3A_480 = vector.broadcast %mul3A_479 : i32 to vector<16xi32>
        %mul3A_481 = arith.muli %convert_element_type3A_470, %mul3A_480 : vector<16xi32>
        %mul3A_482 = arith.constant 256 : i32
        %mul3A_483 = vector.broadcast %mul3A_482 : i32 to vector<16xi32>
        %mul3A_484 = arith.muli %convert_element_type3A_474, %mul3A_483 : vector<16xi32>
        %add3A_485 = arith.addi %mul3A_481, %mul3A_484 : vector<16xi32>
        %add3A_486 = arith.addi %add3A_485, %convert_element_type3A_478 : vector<16xi32>
        %shift_right_arithmetic3A_487 = arith.constant 2 : i32
        %shift_right_arithmetic3A_488 = vector.broadcast %shift_right_arithmetic3A_487 : i32 to vector<16xi32>
        %shift_right_arithmetic3A_489 = arith.shrsi %add3A_486, %shift_right_arithmetic3A_488 : vector<16xi32>
        %max3A_490 = arith.constant 0 : i32
        %max3A_491 = vector.broadcast %max3A_490 : i32 to vector<16xi32>
        %max3A_492 = arith.maxsi %shift_right_arithmetic3A_489, %max3A_491 : vector<16xi32>
        %min3A_493 = arith.constant 4194303 : i32
        %min3A_494 = vector.broadcast %min3A_493 : i32 to vector<16xi32>
        %min3A_495 = arith.minsi %max3A_492, %min3A_494 : vector<16xi32>
        %and3A_496 = arith.constant 3 : i32
        %and3A_497 = vector.broadcast %and3A_496 : i32 to vector<16xi32>
        %and3A_498 = arith.andi %add3A_486, %and3A_497 : vector<16xi32>
        %shift_left3A_499 = arith.constant 3 : i32
        %shift_left3A_500 = vector.broadcast %shift_left3A_499 : i32 to vector<16xi32>
        %shift_left3A_501 = arith.shli %and3A_498, %shift_left3A_500 : vector<16xi32>
        %jit3A_502 = arith.constant 32 : i32
        %jit3A_503 = arith.constant 0 : i32
        %broadcast_in_dim3A_504 = vector.broadcast %jit3A_502 : i32 to vector<16xi32>
        %broadcast_in_dim3A_505 = vector.broadcast %jit3A_503 : i32 to vector<16xi32>
        %select_n3A_506 = arith.select %and3A_466, %broadcast_in_dim3A_504, %broadcast_in_dim3A_505 : vector<16xi1>, vector<16xi32>
        %or3A_507 = arith.ori %shift_left3A_501, %select_n3A_506 : vector<16xi32>
        %swap3A_508 = arith.index_cast %scan3A_316 : i32 to index
        %swap3A_509 = arith.constant 16 : index
        %swap3A_510 = tpu.vector_load %arg7[%swap3A_508, %swap3A_509] {strides = array<i32>} : memref<16x128xi32, #tpu.memory_space<vmem>>, vector<16xi32>,
        tpu.vector_store %arg7[%swap3A_508, %swap3A_509], %min3A_495 {strides = array<i32>} : memref<16x128xi32, #tpu.memory_space<vmem>>, vector<16xi32>,
        %mul3A_511 = arith.constant 128 : i32
        %mul3A_512 = arith.muli %scan3A_316, %mul3A_511 : i32
        %add3A_513 = arith.constant 16 : i32
        %add3A_514 = arith.addi %mul3A_512, %add3A_513 : i32
        %swap3A_515 = arith.index_cast %add3A_514 : i32 to index
        %swap3A_516 = tpu.vector_load %arg9[%swap3A_515] {strides = array<i32>} : memref<2048xi32, #tpu.memory_space<vmem>>, vector<16xi32>,
        tpu.vector_store %arg9[%swap3A_515], %or3A_507 {strides = array<i32>} : memref<2048xi32, #tpu.memory_space<vmem>>, vector<16xi32>,
        %mul3A_517 = arith.constant 128 : i32
        %mul3A_518 = arith.muli %scan3A_316, %mul3A_517 : i32
        %add3A_519 = arith.constant 32 : i32
        %add3A_520 = arith.addi %mul3A_518, %add3A_519 : i32
        %mul3A_521 = arith.constant 3 : i32
        %mul3A_522 = arith.muli %add3A_520, %mul3A_521 : i32
        %mul3A_523 = arith.constant 3 : i32
        %mul3A_524 = vector.broadcast %mul3A_523 : i32 to vector<16xi32>
        %mul3A_525 = arith.muli %iota3A, %mul3A_524 : vector<16xi32>
        %add3A_526 = vector.broadcast %mul3A_522 : i32 to vector<16xi32>
        %add3A_527 = arith.addi %add3A_526, %mul3A_525 : vector<16xi32>
        %gather3A_528 = tpu.vector_load_idx %arg6[%add3A_527] : memref<6144xf32, #tpu.memory_space<vmem>>[vector<16xi32>], vector<16xf32>,
        %add3A_529 = arith.constant 1 : i32
        %add3A_530 = vector.broadcast %add3A_529 : i32 to vector<16xi32>
        %add3A_531 = arith.addi %add3A_527, %add3A_530 : vector<16xi32>
        %gather3A_532 = tpu.vector_load_idx %arg6[%add3A_531] : memref<6144xf32, #tpu.memory_space<vmem>>[vector<16xi32>], vector<16xf32>,
        %add3A_533 = arith.constant 2 : i32
        %add3A_534 = vector.broadcast %add3A_533 : i32 to vector<16xi32>
        %add3A_535 = arith.addi %add3A_527, %add3A_534 : vector<16xi32>
        %gather3A_536 = tpu.vector_load_idx %arg6[%add3A_535] : memref<6144xf32, #tpu.memory_space<vmem>>[vector<16xi32>], vector<16xf32>,
        %mul3A_537 = vector.broadcast %squeeze3A : f32 to vector<16xf32>
        %mul3A_538 = arith.mulf %gather3A_528, %mul3A_537 : vector<16xf32>
        %add3A_539 = vector.broadcast %squeeze3A_7 : f32 to vector<16xf32>
        %add3A_540 = arith.addf %mul3A_538, %add3A_539 : vector<16xf32>
        %mul3A_541 = vector.broadcast %squeeze3A_3 : f32 to vector<16xf32>
        %mul3A_542 = arith.mulf %gather3A_532, %mul3A_541 : vector<16xf32>
        %add3A_543 = vector.broadcast %squeeze3A_9 : f32 to vector<16xf32>
        %add3A_544 = arith.addf %mul3A_542, %add3A_543 : vector<16xf32>
        %mul3A_545 = vector.broadcast %squeeze3A_5 : f32 to vector<16xf32>
        %mul3A_546 = arith.mulf %gather3A_536, %mul3A_545 : vector<16xf32>
        %add3A_547 = vector.broadcast %squeeze3A_11 : f32 to vector<16xf32>
        %add3A_548 = arith.addf %mul3A_546, %add3A_547 : vector<16xf32>
        %ge3A_549 = arith.constant -5.000000e-01 : f32
        %ge3A_550 = vector.broadcast %ge3A_549 : f32 to vector<16xf32>
        %ge3A_551 = arith.cmpf oge, %add3A_540, %ge3A_550 : vector<16xf32>
        %lt3A_552 = arith.constant 2.555000e+02 : f32
        %lt3A_553 = vector.broadcast %lt3A_552 : f32 to vector<16xf32>
        %lt3A_554 = arith.cmpf olt, %add3A_540, %lt3A_553 : vector<16xf32>
        %and3A_555 = arith.andi %ge3A_551, %lt3A_554 : vector<16xi1>
        %ge3A_556 = arith.constant -5.000000e-01 : f32
        %ge3A_557 = vector.broadcast %ge3A_556 : f32 to vector<16xf32>
        %ge3A_558 = arith.cmpf oge, %add3A_544, %ge3A_557 : vector<16xf32>
        %and3A_559 = arith.andi %and3A_555, %ge3A_558 : vector<16xi1>
        %lt3A_560 = arith.constant 2.555000e+02 : f32
        %lt3A_561 = vector.broadcast %lt3A_560 : f32 to vector<16xf32>
        %lt3A_562 = arith.cmpf olt, %add3A_544, %lt3A_561 : vector<16xf32>
        %and3A_563 = arith.andi %and3A_559, %lt3A_562 : vector<16xi1>
        %ge3A_564 = arith.constant -5.000000e-01 : f32
        %ge3A_565 = vector.broadcast %ge3A_564 : f32 to vector<16xf32>
        %ge3A_566 = arith.cmpf oge, %add3A_548, %ge3A_565 : vector<16xf32>
        %and3A_567 = arith.andi %and3A_563, %ge3A_566 : vector<16xi1>
        %lt3A_568 = arith.constant 2.555000e+02 : f32
        %lt3A_569 = vector.broadcast %lt3A_568 : f32 to vector<16xf32>
        %lt3A_570 = arith.cmpf olt, %add3A_548, %lt3A_569 : vector<16xf32>
        %and3A_571 = arith.andi %and3A_567, %lt3A_570 : vector<16xi1>
        %add3A_572 = arith.constant 5.000000e-01 : f32
        %add3A_573 = vector.broadcast %add3A_572 : f32 to vector<16xf32>
        %add3A_574 = arith.addf %add3A_540, %add3A_573 : vector<16xf32>
        %convert_element_type3A_575 = arith.fptosi %add3A_574 : vector<16xf32> to vector<16xi32>
        %add3A_576 = arith.constant 5.000000e-01 : f32
        %add3A_577 = vector.broadcast %add3A_576 : f32 to vector<16xf32>
        %add3A_578 = arith.addf %add3A_544, %add3A_577 : vector<16xf32>
        %convert_element_type3A_579 = arith.fptosi %add3A_578 : vector<16xf32> to vector<16xi32>
        %add3A_580 = arith.constant 5.000000e-01 : f32
        %add3A_581 = vector.broadcast %add3A_580 : f32 to vector<16xf32>
        %add3A_582 = arith.addf %add3A_548, %add3A_581 : vector<16xf32>
        %convert_element_type3A_583 = arith.fptosi %add3A_582 : vector<16xf32> to vector<16xi32>
        %mul3A_584 = arith.constant 65536 : i32
        %mul3A_585 = vector.broadcast %mul3A_584 : i32 to vector<16xi32>
        %mul3A_586 = arith.muli %convert_element_type3A_575, %mul3A_585 : vector<16xi32>
        %mul3A_587 = arith.constant 256 : i32
        %mul3A_588 = vector.broadcast %mul3A_587 : i32 to vector<16xi32>
        %mul3A_589 = arith.muli %convert_element_type3A_579, %mul3A_588 : vector<16xi32>
        %add3A_590 = arith.addi %mul3A_586, %mul3A_589 : vector<16xi32>
        %add3A_591 = arith.addi %add3A_590, %convert_element_type3A_583 : vector<16xi32>
        %shift_right_arithmetic3A_592 = arith.constant 2 : i32
        %shift_right_arithmetic3A_593 = vector.broadcast %shift_right_arithmetic3A_592 : i32 to vector<16xi32>
        %shift_right_arithmetic3A_594 = arith.shrsi %add3A_591, %shift_right_arithmetic3A_593 : vector<16xi32>
        %max3A_595 = arith.constant 0 : i32
        %max3A_596 = vector.broadcast %max3A_595 : i32 to vector<16xi32>
        %max3A_597 = arith.maxsi %shift_right_arithmetic3A_594, %max3A_596 : vector<16xi32>
        %min3A_598 = arith.constant 4194303 : i32
        %min3A_599 = vector.broadcast %min3A_598 : i32 to vector<16xi32>
        %min3A_600 = arith.minsi %max3A_597, %min3A_599 : vector<16xi32>
        %and3A_601 = arith.constant 3 : i32
        %and3A_602 = vector.broadcast %and3A_601 : i32 to vector<16xi32>
        %and3A_603 = arith.andi %add3A_591, %and3A_602 : vector<16xi32>
        %shift_left3A_604 = arith.constant 3 : i32
        %shift_left3A_605 = vector.broadcast %shift_left3A_604 : i32 to vector<16xi32>
        %shift_left3A_606 = arith.shli %and3A_603, %shift_left3A_605 : vector<16xi32>
        %jit3A_607 = arith.constant 32 : i32
        %jit3A_608 = arith.constant 0 : i32
        %broadcast_in_dim3A_609 = vector.broadcast %jit3A_607 : i32 to vector<16xi32>
        %broadcast_in_dim3A_610 = vector.broadcast %jit3A_608 : i32 to vector<16xi32>
        %select_n3A_611 = arith.select %and3A_571, %broadcast_in_dim3A_609, %broadcast_in_dim3A_610 : vector<16xi1>, vector<16xi32>
        %or3A_612 = arith.ori %shift_left3A_606, %select_n3A_611 : vector<16xi32>
        %swap3A_613 = arith.index_cast %scan3A_316 : i32 to index
        %swap3A_614 = arith.constant 32 : index
        %swap3A_615 = tpu.vector_load %arg7[%swap3A_613, %swap3A_614] {strides = array<i32>} : memref<16x128xi32, #tpu.memory_space<vmem>>, vector<16xi32>,
        tpu.vector_store %arg7[%swap3A_613, %swap3A_614], %min3A_600 {strides = array<i32>} : memref<16x128xi32, #tpu.memory_space<vmem>>, vector<16xi32>,
        %mul3A_616 = arith.constant 128 : i32
        %mul3A_617 = arith.muli %scan3A_316, %mul3A_616 : i32
        %add3A_618 = arith.constant 32 : i32
        %add3A_619 = arith.addi %mul3A_617, %add3A_618 : i32
        %swap3A_620 = arith.index_cast %add3A_619 : i32 to index
        %swap3A_621 = tpu.vector_load %arg9[%swap3A_620] {strides = array<i32>} : memref<2048xi32, #tpu.memory_space<vmem>>, vector<16xi32>,
        tpu.vector_store %arg9[%swap3A_620], %or3A_612 {strides = array<i32>} : memref<2048xi32, #tpu.memory_space<vmem>>, vector<16xi32>,
        %mul3A_622 = arith.constant 128 : i32
        %mul3A_623 = arith.muli %scan3A_316, %mul3A_622 : i32
        %add3A_624 = arith.constant 48 : i32
        %add3A_625 = arith.addi %mul3A_623, %add3A_624 : i32
        %mul3A_626 = arith.constant 3 : i32
        %mul3A_627 = arith.muli %add3A_625, %mul3A_626 : i32
        %mul3A_628 = arith.constant 3 : i32
        %mul3A_629 = vector.broadcast %mul3A_628 : i32 to vector<16xi32>
        %mul3A_630 = arith.muli %iota3A, %mul3A_629 : vector<16xi32>
        %add3A_631 = vector.broadcast %mul3A_627 : i32 to vector<16xi32>
        %add3A_632 = arith.addi %add3A_631, %mul3A_630 : vector<16xi32>
        %gather3A_633 = tpu.vector_load_idx %arg6[%add3A_632] : memref<6144xf32, #tpu.memory_space<vmem>>[vector<16xi32>], vector<16xf32>,
        %add3A_634 = arith.constant 1 : i32
        %add3A_635 = vector.broadcast %add3A_634 : i32 to vector<16xi32>
        %add3A_636 = arith.addi %add3A_632, %add3A_635 : vector<16xi32>
        %gather3A_637 = tpu.vector_load_idx %arg6[%add3A_636] : memref<6144xf32, #tpu.memory_space<vmem>>[vector<16xi32>], vector<16xf32>,
        %add3A_638 = arith.constant 2 : i32
        %add3A_639 = vector.broadcast %add3A_638 : i32 to vector<16xi32>
        %add3A_640 = arith.addi %add3A_632, %add3A_639 : vector<16xi32>
        %gather3A_641 = tpu.vector_load_idx %arg6[%add3A_640] : memref<6144xf32, #tpu.memory_space<vmem>>[vector<16xi32>], vector<16xf32>,
        %mul3A_642 = vector.broadcast %squeeze3A : f32 to vector<16xf32>
        %mul3A_643 = arith.mulf %gather3A_633, %mul3A_642 : vector<16xf32>
        %add3A_644 = vector.broadcast %squeeze3A_7 : f32 to vector<16xf32>
        %add3A_645 = arith.addf %mul3A_643, %add3A_644 : vector<16xf32>
        %mul3A_646 = vector.broadcast %squeeze3A_3 : f32 to vector<16xf32>
        %mul3A_647 = arith.mulf %gather3A_637, %mul3A_646 : vector<16xf32>
        %add3A_648 = vector.broadcast %squeeze3A_9 : f32 to vector<16xf32>
        %add3A_649 = arith.addf %mul3A_647, %add3A_648 : vector<16xf32>
        %mul3A_650 = vector.broadcast %squeeze3A_5 : f32 to vector<16xf32>
        %mul3A_651 = arith.mulf %gather3A_641, %mul3A_650 : vector<16xf32>
        %add3A_652 = vector.broadcast %squeeze3A_11 : f32 to vector<16xf32>
        %add3A_653 = arith.addf %mul3A_651, %add3A_652 : vector<16xf32>
        %ge3A_654 = arith.constant -5.000000e-01 : f32
        %ge3A_655 = vector.broadcast %ge3A_654 : f32 to vector<16xf32>
        %ge3A_656 = arith.cmpf oge, %add3A_645, %ge3A_655 : vector<16xf32>
        %lt3A_657 = arith.constant 2.555000e+02 : f32
        %lt3A_658 = vector.broadcast %lt3A_657 : f32 to vector<16xf32>
        %lt3A_659 = arith.cmpf olt, %add3A_645, %lt3A_658 : vector<16xf32>
        %and3A_660 = arith.andi %ge3A_656, %lt3A_659 : vector<16xi1>
        %ge3A_661 = arith.constant -5.000000e-01 : f32
        %ge3A_662 = vector.broadcast %ge3A_661 : f32 to vector<16xf32>
        %ge3A_663 = arith.cmpf oge, %add3A_649, %ge3A_662 : vector<16xf32>
        %and3A_664 = arith.andi %and3A_660, %ge3A_663 : vector<16xi1>
        %lt3A_665 = arith.constant 2.555000e+02 : f32
        %lt3A_666 = vector.broadcast %lt3A_665 : f32 to vector<16xf32>
        %lt3A_667 = arith.cmpf olt, %add3A_649, %lt3A_666 : vector<16xf32>
        %and3A_668 = arith.andi %and3A_664, %lt3A_667 : vector<16xi1>
        %ge3A_669 = arith.constant -5.000000e-01 : f32
        %ge3A_670 = vector.broadcast %ge3A_669 : f32 to vector<16xf32>
        %ge3A_671 = arith.cmpf oge, %add3A_653, %ge3A_670 : vector<16xf32>
        %and3A_672 = arith.andi %and3A_668, %ge3A_671 : vector<16xi1>
        %lt3A_673 = arith.constant 2.555000e+02 : f32
        %lt3A_674 = vector.broadcast %lt3A_673 : f32 to vector<16xf32>
        %lt3A_675 = arith.cmpf olt, %add3A_653, %lt3A_674 : vector<16xf32>
        %and3A_676 = arith.andi %and3A_672, %lt3A_675 : vector<16xi1>
        %add3A_677 = arith.constant 5.000000e-01 : f32
        %add3A_678 = vector.broadcast %add3A_677 : f32 to vector<16xf32>
        %add3A_679 = arith.addf %add3A_645, %add3A_678 : vector<16xf32>
        %convert_element_type3A_680 = arith.fptosi %add3A_679 : vector<16xf32> to vector<16xi32>
        %add3A_681 = arith.constant 5.000000e-01 : f32
        %add3A_682 = vector.broadcast %add3A_681 : f32 to vector<16xf32>
        %add3A_683 = arith.addf %add3A_649, %add3A_682 : vector<16xf32>
        %convert_element_type3A_684 = arith.fptosi %add3A_683 : vector<16xf32> to vector<16xi32>
        %add3A_685 = arith.constant 5.000000e-01 : f32
        %add3A_686 = vector.broadcast %add3A_685 : f32 to vector<16xf32>
        %add3A_687 = arith.addf %add3A_653, %add3A_686 : vector<16xf32>
        %convert_element_type3A_688 = arith.fptosi %add3A_687 : vector<16xf32> to vector<16xi32>
        %mul3A_689 = arith.constant 65536 : i32
        %mul3A_690 = vector.broadcast %mul3A_689 : i32 to vector<16xi32>
        %mul3A_691 = arith.muli %convert_element_type3A_680, %mul3A_690 : vector<16xi32>
        %mul3A_692 = arith.constant 256 : i32
        %mul3A_693 = vector.broadcast %mul3A_692 : i32 to vector<16xi32>
        %mul3A_694 = arith.muli %convert_element_type3A_684, %mul3A_693 : vector<16xi32>
        %add3A_695 = arith.addi %mul3A_691, %mul3A_694 : vector<16xi32>
        %add3A_696 = arith.addi %add3A_695, %convert_element_type3A_688 : vector<16xi32>
        %shift_right_arithmetic3A_697 = arith.constant 2 : i32
        %shift_right_arithmetic3A_698 = vector.broadcast %shift_right_arithmetic3A_697 : i32 to vector<16xi32>
        %shift_right_arithmetic3A_699 = arith.shrsi %add3A_696, %shift_right_arithmetic3A_698 : vector<16xi32>
        %max3A_700 = arith.constant 0 : i32
        %max3A_701 = vector.broadcast %max3A_700 : i32 to vector<16xi32>
        %max3A_702 = arith.maxsi %shift_right_arithmetic3A_699, %max3A_701 : vector<16xi32>
        %min3A_703 = arith.constant 4194303 : i32
        %min3A_704 = vector.broadcast %min3A_703 : i32 to vector<16xi32>
        %min3A_705 = arith.minsi %max3A_702, %min3A_704 : vector<16xi32>
        %and3A_706 = arith.constant 3 : i32
        %and3A_707 = vector.broadcast %and3A_706 : i32 to vector<16xi32>
        %and3A_708 = arith.andi %add3A_696, %and3A_707 : vector<16xi32>
        %shift_left3A_709 = arith.constant 3 : i32
        %shift_left3A_710 = vector.broadcast %shift_left3A_709 : i32 to vector<16xi32>
        %shift_left3A_711 = arith.shli %and3A_708, %shift_left3A_710 : vector<16xi32>
        %jit3A_712 = arith.constant 32 : i32
        %jit3A_713 = arith.constant 0 : i32
        %broadcast_in_dim3A_714 = vector.broadcast %jit3A_712 : i32 to vector<16xi32>
        %broadcast_in_dim3A_715 = vector.broadcast %jit3A_713 : i32 to vector<16xi32>
        %select_n3A_716 = arith.select %and3A_676, %broadcast_in_dim3A_714, %broadcast_in_dim3A_715 : vector<16xi1>, vector<16xi32>
        %or3A_717 = arith.ori %shift_left3A_711, %select_n3A_716 : vector<16xi32>
        %swap3A_718 = arith.index_cast %scan3A_316 : i32 to index
        %swap3A_719 = arith.constant 48 : index
        %swap3A_720 = tpu.vector_load %arg7[%swap3A_718, %swap3A_719] {strides = array<i32>} : memref<16x128xi32, #tpu.memory_space<vmem>>, vector<16xi32>,
        tpu.vector_store %arg7[%swap3A_718, %swap3A_719], %min3A_705 {strides = array<i32>} : memref<16x128xi32, #tpu.memory_space<vmem>>, vector<16xi32>,
        %mul3A_721 = arith.constant 128 : i32
        %mul3A_722 = arith.muli %scan3A_316, %mul3A_721 : i32
        %add3A_723 = arith.constant 48 : i32
        %add3A_724 = arith.addi %mul3A_722, %add3A_723 : i32
        %swap3A_725 = arith.index_cast %add3A_724 : i32 to index
        %swap3A_726 = tpu.vector_load %arg9[%swap3A_725] {strides = array<i32>} : memref<2048xi32, #tpu.memory_space<vmem>>, vector<16xi32>,
        tpu.vector_store %arg9[%swap3A_725], %or3A_717 {strides = array<i32>} : memref<2048xi32, #tpu.memory_space<vmem>>, vector<16xi32>,
        %mul3A_727 = arith.constant 128 : i32
        %mul3A_728 = arith.muli %scan3A_316, %mul3A_727 : i32
        %add3A_729 = arith.constant 64 : i32
        %add3A_730 = arith.addi %mul3A_728, %add3A_729 : i32
        %mul3A_731 = arith.constant 3 : i32
        %mul3A_732 = arith.muli %add3A_730, %mul3A_731 : i32
        %mul3A_733 = arith.constant 3 : i32
        %mul3A_734 = vector.broadcast %mul3A_733 : i32 to vector<16xi32>
        %mul3A_735 = arith.muli %iota3A, %mul3A_734 : vector<16xi32>
        %add3A_736 = vector.broadcast %mul3A_732 : i32 to vector<16xi32>
        %add3A_737 = arith.addi %add3A_736, %mul3A_735 : vector<16xi32>
        %gather3A_738 = tpu.vector_load_idx %arg6[%add3A_737] : memref<6144xf32, #tpu.memory_space<vmem>>[vector<16xi32>], vector<16xf32>,
        %add3A_739 = arith.constant 1 : i32
        %add3A_740 = vector.broadcast %add3A_739 : i32 to vector<16xi32>
        %add3A_741 = arith.addi %add3A_737, %add3A_740 : vector<16xi32>
        %gather3A_742 = tpu.vector_load_idx %arg6[%add3A_741] : memref<6144xf32, #tpu.memory_space<vmem>>[vector<16xi32>], vector<16xf32>,
        %add3A_743 = arith.constant 2 : i32
        %add3A_744 = vector.broadcast %add3A_743 : i32 to vector<16xi32>
        %add3A_745 = arith.addi %add3A_737, %add3A_744 : vector<16xi32>
        %gather3A_746 = tpu.vector_load_idx %arg6[%add3A_745] : memref<6144xf32, #tpu.memory_space<vmem>>[vector<16xi32>], vector<16xf32>,
        %mul3A_747 = vector.broadcast %squeeze3A : f32 to vector<16xf32>
        %mul3A_748 = arith.mulf %gather3A_738, %mul3A_747 : vector<16xf32>
        %add3A_749 = vector.broadcast %squeeze3A_7 : f32 to vector<16xf32>
        %add3A_750 = arith.addf %mul3A_748, %add3A_749 : vector<16xf32>
        %mul3A_751 = vector.broadcast %squeeze3A_3 : f32 to vector<16xf32>
        %mul3A_752 = arith.mulf %gather3A_742, %mul3A_751 : vector<16xf32>
        %add3A_753 = vector.broadcast %squeeze3A_9 : f32 to vector<16xf32>
        %add3A_754 = arith.addf %mul3A_752, %add3A_753 : vector<16xf32>
        %mul3A_755 = vector.broadcast %squeeze3A_5 : f32 to vector<16xf32>
        %mul3A_756 = arith.mulf %gather3A_746, %mul3A_755 : vector<16xf32>
        %add3A_757 = vector.broadcast %squeeze3A_11 : f32 to vector<16xf32>
        %add3A_758 = arith.addf %mul3A_756, %add3A_757 : vector<16xf32>
        %ge3A_759 = arith.constant -5.000000e-01 : f32
        %ge3A_760 = vector.broadcast %ge3A_759 : f32 to vector<16xf32>
        %ge3A_761 = arith.cmpf oge, %add3A_750, %ge3A_760 : vector<16xf32>
        %lt3A_762 = arith.constant 2.555000e+02 : f32
        %lt3A_763 = vector.broadcast %lt3A_762 : f32 to vector<16xf32>
        %lt3A_764 = arith.cmpf olt, %add3A_750, %lt3A_763 : vector<16xf32>
        %and3A_765 = arith.andi %ge3A_761, %lt3A_764 : vector<16xi1>
        %ge3A_766 = arith.constant -5.000000e-01 : f32
        %ge3A_767 = vector.broadcast %ge3A_766 : f32 to vector<16xf32>
        %ge3A_768 = arith.cmpf oge, %add3A_754, %ge3A_767 : vector<16xf32>
        %and3A_769 = arith.andi %and3A_765, %ge3A_768 : vector<16xi1>
        %lt3A_770 = arith.constant 2.555000e+02 : f32
        %lt3A_771 = vector.broadcast %lt3A_770 : f32 to vector<16xf32>
        %lt3A_772 = arith.cmpf olt, %add3A_754, %lt3A_771 : vector<16xf32>
        %and3A_773 = arith.andi %and3A_769, %lt3A_772 : vector<16xi1>
        %ge3A_774 = arith.constant -5.000000e-01 : f32
        %ge3A_775 = vector.broadcast %ge3A_774 : f32 to vector<16xf32>
        %ge3A_776 = arith.cmpf oge, %add3A_758, %ge3A_775 : vector<16xf32>
        %and3A_777 = arith.andi %and3A_773, %ge3A_776 : vector<16xi1>
        %lt3A_778 = arith.constant 2.555000e+02 : f32
        %lt3A_779 = vector.broadcast %lt3A_778 : f32 to vector<16xf32>
        %lt3A_780 = arith.cmpf olt, %add3A_758, %lt3A_779 : vector<16xf32>
        %and3A_781 = arith.andi %and3A_777, %lt3A_780 : vector<16xi1>
        %add3A_782 = arith.constant 5.000000e-01 : f32
        %add3A_783 = vector.broadcast %add3A_782 : f32 to vector<16xf32>
        %add3A_784 = arith.addf %add3A_750, %add3A_783 : vector<16xf32>
        %convert_element_type3A_785 = arith.fptosi %add3A_784 : vector<16xf32> to vector<16xi32>
        %add3A_786 = arith.constant 5.000000e-01 : f32
        %add3A_787 = vector.broadcast %add3A_786 : f32 to vector<16xf32>
        %add3A_788 = arith.addf %add3A_754, %add3A_787 : vector<16xf32>
        %convert_element_type3A_789 = arith.fptosi %add3A_788 : vector<16xf32> to vector<16xi32>
        %add3A_790 = arith.constant 5.000000e-01 : f32
        %add3A_791 = vector.broadcast %add3A_790 : f32 to vector<16xf32>
        %add3A_792 = arith.addf %add3A_758, %add3A_791 : vector<16xf32>
        %convert_element_type3A_793 = arith.fptosi %add3A_792 : vector<16xf32> to vector<16xi32>
        %mul3A_794 = arith.constant 65536 : i32
        %mul3A_795 = vector.broadcast %mul3A_794 : i32 to vector<16xi32>
        %mul3A_796 = arith.muli %convert_element_type3A_785, %mul3A_795 : vector<16xi32>
        %mul3A_797 = arith.constant 256 : i32
        %mul3A_798 = vector.broadcast %mul3A_797 : i32 to vector<16xi32>
        %mul3A_799 = arith.muli %convert_element_type3A_789, %mul3A_798 : vector<16xi32>
        %add3A_800 = arith.addi %mul3A_796, %mul3A_799 : vector<16xi32>
        %add3A_801 = arith.addi %add3A_800, %convert_element_type3A_793 : vector<16xi32>
        %shift_right_arithmetic3A_802 = arith.constant 2 : i32
        %shift_right_arithmetic3A_803 = vector.broadcast %shift_right_arithmetic3A_802 : i32 to vector<16xi32>
        %shift_right_arithmetic3A_804 = arith.shrsi %add3A_801, %shift_right_arithmetic3A_803 : vector<16xi32>
        %max3A_805 = arith.constant 0 : i32
        %max3A_806 = vector.broadcast %max3A_805 : i32 to vector<16xi32>
        %max3A_807 = arith.maxsi %shift_right_arithmetic3A_804, %max3A_806 : vector<16xi32>
        %min3A_808 = arith.constant 4194303 : i32
        %min3A_809 = vector.broadcast %min3A_808 : i32 to vector<16xi32>
        %min3A_810 = arith.minsi %max3A_807, %min3A_809 : vector<16xi32>
        %and3A_811 = arith.constant 3 : i32
        %and3A_812 = vector.broadcast %and3A_811 : i32 to vector<16xi32>
        %and3A_813 = arith.andi %add3A_801, %and3A_812 : vector<16xi32>
        %shift_left3A_814 = arith.constant 3 : i32
        %shift_left3A_815 = vector.broadcast %shift_left3A_814 : i32 to vector<16xi32>
        %shift_left3A_816 = arith.shli %and3A_813, %shift_left3A_815 : vector<16xi32>
        %jit3A_817 = arith.constant 32 : i32
        %jit3A_818 = arith.constant 0 : i32
        %broadcast_in_dim3A_819 = vector.broadcast %jit3A_817 : i32 to vector<16xi32>
        %broadcast_in_dim3A_820 = vector.broadcast %jit3A_818 : i32 to vector<16xi32>
        %select_n3A_821 = arith.select %and3A_781, %broadcast_in_dim3A_819, %broadcast_in_dim3A_820 : vector<16xi1>, vector<16xi32>
        %or3A_822 = arith.ori %shift_left3A_816, %select_n3A_821 : vector<16xi32>
        %swap3A_823 = arith.index_cast %scan3A_316 : i32 to index
        %swap3A_824 = arith.constant 64 : index
        %swap3A_825 = tpu.vector_load %arg7[%swap3A_823, %swap3A_824] {strides = array<i32>} : memref<16x128xi32, #tpu.memory_space<vmem>>, vector<16xi32>,
        tpu.vector_store %arg7[%swap3A_823, %swap3A_824], %min3A_810 {strides = array<i32>} : memref<16x128xi32, #tpu.memory_space<vmem>>, vector<16xi32>,
        %mul3A_826 = arith.constant 128 : i32
        %mul3A_827 = arith.muli %scan3A_316, %mul3A_826 : i32
        %add3A_828 = arith.constant 64 : i32
        %add3A_829 = arith.addi %mul3A_827, %add3A_828 : i32
        %swap3A_830 = arith.index_cast %add3A_829 : i32 to index
        %swap3A_831 = tpu.vector_load %arg9[%swap3A_830] {strides = array<i32>} : memref<2048xi32, #tpu.memory_space<vmem>>, vector<16xi32>,
        tpu.vector_store %arg9[%swap3A_830], %or3A_822 {strides = array<i32>} : memref<2048xi32, #tpu.memory_space<vmem>>, vector<16xi32>,
        %mul3A_832 = arith.constant 128 : i32
        %mul3A_833 = arith.muli %scan3A_316, %mul3A_832 : i32
        %add3A_834 = arith.constant 80 : i32
        %add3A_835 = arith.addi %mul3A_833, %add3A_834 : i32
        %mul3A_836 = arith.constant 3 : i32
        %mul3A_837 = arith.muli %add3A_835, %mul3A_836 : i32
        %mul3A_838 = arith.constant 3 : i32
        %mul3A_839 = vector.broadcast %mul3A_838 : i32 to vector<16xi32>
        %mul3A_840 = arith.muli %iota3A, %mul3A_839 : vector<16xi32>
        %add3A_841 = vector.broadcast %mul3A_837 : i32 to vector<16xi32>
        %add3A_842 = arith.addi %add3A_841, %mul3A_840 : vector<16xi32>
        %gather3A_843 = tpu.vector_load_idx %arg6[%add3A_842] : memref<6144xf32, #tpu.memory_space<vmem>>[vector<16xi32>], vector<16xf32>,
        %add3A_844 = arith.constant 1 : i32
        %add3A_845 = vector.broadcast %add3A_844 : i32 to vector<16xi32>
        %add3A_846 = arith.addi %add3A_842, %add3A_845 : vector<16xi32>
        %gather3A_847 = tpu.vector_load_idx %arg6[%add3A_846] : memref<6144xf32, #tpu.memory_space<vmem>>[vector<16xi32>], vector<16xf32>,
        %add3A_848 = arith.constant 2 : i32
        %add3A_849 = vector.broadcast %add3A_848 : i32 to vector<16xi32>
        %add3A_850 = arith.addi %add3A_842, %add3A_849 : vector<16xi32>
        %gather3A_851 = tpu.vector_load_idx %arg6[%add3A_850] : memref<6144xf32, #tpu.memory_space<vmem>>[vector<16xi32>], vector<16xf32>,
        %mul3A_852 = vector.broadcast %squeeze3A : f32 to vector<16xf32>
        %mul3A_853 = arith.mulf %gather3A_843, %mul3A_852 : vector<16xf32>
        %add3A_854 = vector.broadcast %squeeze3A_7 : f32 to vector<16xf32>
        %add3A_855 = arith.addf %mul3A_853, %add3A_854 : vector<16xf32>
        %mul3A_856 = vector.broadcast %squeeze3A_3 : f32 to vector<16xf32>
        %mul3A_857 = arith.mulf %gather3A_847, %mul3A_856 : vector<16xf32>
        %add3A_858 = vector.broadcast %squeeze3A_9 : f32 to vector<16xf32>
        %add3A_859 = arith.addf %mul3A_857, %add3A_858 : vector<16xf32>
        %mul3A_860 = vector.broadcast %squeeze3A_5 : f32 to vector<16xf32>
        %mul3A_861 = arith.mulf %gather3A_851, %mul3A_860 : vector<16xf32>
        %add3A_862 = vector.broadcast %squeeze3A_11 : f32 to vector<16xf32>
        %add3A_863 = arith.addf %mul3A_861, %add3A_862 : vector<16xf32>
        %ge3A_864 = arith.constant -5.000000e-01 : f32
        %ge3A_865 = vector.broadcast %ge3A_864 : f32 to vector<16xf32>
        %ge3A_866 = arith.cmpf oge, %add3A_855, %ge3A_865 : vector<16xf32>
        %lt3A_867 = arith.constant 2.555000e+02 : f32
        %lt3A_868 = vector.broadcast %lt3A_867 : f32 to vector<16xf32>
        %lt3A_869 = arith.cmpf olt, %add3A_855, %lt3A_868 : vector<16xf32>
        %and3A_870 = arith.andi %ge3A_866, %lt3A_869 : vector<16xi1>
        %ge3A_871 = arith.constant -5.000000e-01 : f32
        %ge3A_872 = vector.broadcast %ge3A_871 : f32 to vector<16xf32>
        %ge3A_873 = arith.cmpf oge, %add3A_859, %ge3A_872 : vector<16xf32>
        %and3A_874 = arith.andi %and3A_870, %ge3A_873 : vector<16xi1>
        %lt3A_875 = arith.constant 2.555000e+02 : f32
        %lt3A_876 = vector.broadcast %lt3A_875 : f32 to vector<16xf32>
        %lt3A_877 = arith.cmpf olt, %add3A_859, %lt3A_876 : vector<16xf32>
        %and3A_878 = arith.andi %and3A_874, %lt3A_877 : vector<16xi1>
        %ge3A_879 = arith.constant -5.000000e-01 : f32
        %ge3A_880 = vector.broadcast %ge3A_879 : f32 to vector<16xf32>
        %ge3A_881 = arith.cmpf oge, %add3A_863, %ge3A_880 : vector<16xf32>
        %and3A_882 = arith.andi %and3A_878, %ge3A_881 : vector<16xi1>
        %lt3A_883 = arith.constant 2.555000e+02 : f32
        %lt3A_884 = vector.broadcast %lt3A_883 : f32 to vector<16xf32>
        %lt3A_885 = arith.cmpf olt, %add3A_863, %lt3A_884 : vector<16xf32>
        %and3A_886 = arith.andi %and3A_882, %lt3A_885 : vector<16xi1>
        %add3A_887 = arith.constant 5.000000e-01 : f32
        %add3A_888 = vector.broadcast %add3A_887 : f32 to vector<16xf32>
        %add3A_889 = arith.addf %add3A_855, %add3A_888 : vector<16xf32>
        %convert_element_type3A_890 = arith.fptosi %add3A_889 : vector<16xf32> to vector<16xi32>
        %add3A_891 = arith.constant 5.000000e-01 : f32
        %add3A_892 = vector.broadcast %add3A_891 : f32 to vector<16xf32>
        %add3A_893 = arith.addf %add3A_859, %add3A_892 : vector<16xf32>
        %convert_element_type3A_894 = arith.fptosi %add3A_893 : vector<16xf32> to vector<16xi32>
        %add3A_895 = arith.constant 5.000000e-01 : f32
        %add3A_896 = vector.broadcast %add3A_895 : f32 to vector<16xf32>
        %add3A_897 = arith.addf %add3A_863, %add3A_896 : vector<16xf32>
        %convert_element_type3A_898 = arith.fptosi %add3A_897 : vector<16xf32> to vector<16xi32>
        %mul3A_899 = arith.constant 65536 : i32
        %mul3A_900 = vector.broadcast %mul3A_899 : i32 to vector<16xi32>
        %mul3A_901 = arith.muli %convert_element_type3A_890, %mul3A_900 : vector<16xi32>
        %mul3A_902 = arith.constant 256 : i32
        %mul3A_903 = vector.broadcast %mul3A_902 : i32 to vector<16xi32>
        %mul3A_904 = arith.muli %convert_element_type3A_894, %mul3A_903 : vector<16xi32>
        %add3A_905 = arith.addi %mul3A_901, %mul3A_904 : vector<16xi32>
        %add3A_906 = arith.addi %add3A_905, %convert_element_type3A_898 : vector<16xi32>
        %shift_right_arithmetic3A_907 = arith.constant 2 : i32
        %shift_right_arithmetic3A_908 = vector.broadcast %shift_right_arithmetic3A_907 : i32 to vector<16xi32>
        %shift_right_arithmetic3A_909 = arith.shrsi %add3A_906, %shift_right_arithmetic3A_908 : vector<16xi32>
        %max3A_910 = arith.constant 0 : i32
        %max3A_911 = vector.broadcast %max3A_910 : i32 to vector<16xi32>
        %max3A_912 = arith.maxsi %shift_right_arithmetic3A_909, %max3A_911 : vector<16xi32>
        %min3A_913 = arith.constant 4194303 : i32
        %min3A_914 = vector.broadcast %min3A_913 : i32 to vector<16xi32>
        %min3A_915 = arith.minsi %max3A_912, %min3A_914 : vector<16xi32>
        %and3A_916 = arith.constant 3 : i32
        %and3A_917 = vector.broadcast %and3A_916 : i32 to vector<16xi32>
        %and3A_918 = arith.andi %add3A_906, %and3A_917 : vector<16xi32>
        %shift_left3A_919 = arith.constant 3 : i32
        %shift_left3A_920 = vector.broadcast %shift_left3A_919 : i32 to vector<16xi32>
        %shift_left3A_921 = arith.shli %and3A_918, %shift_left3A_920 : vector<16xi32>
        %jit3A_922 = arith.constant 32 : i32
        %jit3A_923 = arith.constant 0 : i32
        %broadcast_in_dim3A_924 = vector.broadcast %jit3A_922 : i32 to vector<16xi32>
        %broadcast_in_dim3A_925 = vector.broadcast %jit3A_923 : i32 to vector<16xi32>
        %select_n3A_926 = arith.select %and3A_886, %broadcast_in_dim3A_924, %broadcast_in_dim3A_925 : vector<16xi1>, vector<16xi32>
        %or3A_927 = arith.ori %shift_left3A_921, %select_n3A_926 : vector<16xi32>
        %swap3A_928 = arith.index_cast %scan3A_316 : i32 to index
        %swap3A_929 = arith.constant 80 : index
        %swap3A_930 = tpu.vector_load %arg7[%swap3A_928, %swap3A_929] {strides = array<i32>} : memref<16x128xi32, #tpu.memory_space<vmem>>, vector<16xi32>,
        tpu.vector_store %arg7[%swap3A_928, %swap3A_929], %min3A_915 {strides = array<i32>} : memref<16x128xi32, #tpu.memory_space<vmem>>, vector<16xi32>,
        %mul3A_931 = arith.constant 128 : i32
        %mul3A_932 = arith.muli %scan3A_316, %mul3A_931 : i32
        %add3A_933 = arith.constant 80 : i32
        %add3A_934 = arith.addi %mul3A_932, %add3A_933 : i32
        %swap3A_935 = arith.index_cast %add3A_934 : i32 to index
        %swap3A_936 = tpu.vector_load %arg9[%swap3A_935] {strides = array<i32>} : memref<2048xi32, #tpu.memory_space<vmem>>, vector<16xi32>,
        tpu.vector_store %arg9[%swap3A_935], %or3A_927 {strides = array<i32>} : memref<2048xi32, #tpu.memory_space<vmem>>, vector<16xi32>,
        %mul3A_937 = arith.constant 128 : i32
        %mul3A_938 = arith.muli %scan3A_316, %mul3A_937 : i32
        %add3A_939 = arith.constant 96 : i32
        %add3A_940 = arith.addi %mul3A_938, %add3A_939 : i32
        %mul3A_941 = arith.constant 3 : i32
        %mul3A_942 = arith.muli %add3A_940, %mul3A_941 : i32
        %mul3A_943 = arith.constant 3 : i32
        %mul3A_944 = vector.broadcast %mul3A_943 : i32 to vector<16xi32>
        %mul3A_945 = arith.muli %iota3A, %mul3A_944 : vector<16xi32>
        %add3A_946 = vector.broadcast %mul3A_942 : i32 to vector<16xi32>
        %add3A_947 = arith.addi %add3A_946, %mul3A_945 : vector<16xi32>
        %gather3A_948 = tpu.vector_load_idx %arg6[%add3A_947] : memref<6144xf32, #tpu.memory_space<vmem>>[vector<16xi32>], vector<16xf32>,
        %add3A_949 = arith.constant 1 : i32
        %add3A_950 = vector.broadcast %add3A_949 : i32 to vector<16xi32>
        %add3A_951 = arith.addi %add3A_947, %add3A_950 : vector<16xi32>
        %gather3A_952 = tpu.vector_load_idx %arg6[%add3A_951] : memref<6144xf32, #tpu.memory_space<vmem>>[vector<16xi32>], vector<16xf32>,
        %add3A_953 = arith.constant 2 : i32
        %add3A_954 = vector.broadcast %add3A_953 : i32 to vector<16xi32>
        %add3A_955 = arith.addi %add3A_947, %add3A_954 : vector<16xi32>
        %gather3A_956 = tpu.vector_load_idx %arg6[%add3A_955] : memref<6144xf32, #tpu.memory_space<vmem>>[vector<16xi32>], vector<16xf32>,
        %mul3A_957 = vector.broadcast %squeeze3A : f32 to vector<16xf32>
        %mul3A_958 = arith.mulf %gather3A_948, %mul3A_957 : vector<16xf32>
        %add3A_959 = vector.broadcast %squeeze3A_7 : f32 to vector<16xf32>
        %add3A_960 = arith.addf %mul3A_958, %add3A_959 : vector<16xf32>
        %mul3A_961 = vector.broadcast %squeeze3A_3 : f32 to vector<16xf32>
        %mul3A_962 = arith.mulf %gather3A_952, %mul3A_961 : vector<16xf32>
        %add3A_963 = vector.broadcast %squeeze3A_9 : f32 to vector<16xf32>
        %add3A_964 = arith.addf %mul3A_962, %add3A_963 : vector<16xf32>
        %mul3A_965 = vector.broadcast %squeeze3A_5 : f32 to vector<16xf32>
        %mul3A_966 = arith.mulf %gather3A_956, %mul3A_965 : vector<16xf32>
        %add3A_967 = vector.broadcast %squeeze3A_11 : f32 to vector<16xf32>
        %add3A_968 = arith.addf %mul3A_966, %add3A_967 : vector<16xf32>
        %ge3A_969 = arith.constant -5.000000e-01 : f32
        %ge3A_970 = vector.broadcast %ge3A_969 : f32 to vector<16xf32>
        %ge3A_971 = arith.cmpf oge, %add3A_960, %ge3A_970 : vector<16xf32>
        %lt3A_972 = arith.constant 2.555000e+02 : f32
        %lt3A_973 = vector.broadcast %lt3A_972 : f32 to vector<16xf32>
        %lt3A_974 = arith.cmpf olt, %add3A_960, %lt3A_973 : vector<16xf32>
        %and3A_975 = arith.andi %ge3A_971, %lt3A_974 : vector<16xi1>
        %ge3A_976 = arith.constant -5.000000e-01 : f32
        %ge3A_977 = vector.broadcast %ge3A_976 : f32 to vector<16xf32>
        %ge3A_978 = arith.cmpf oge, %add3A_964, %ge3A_977 : vector<16xf32>
        %and3A_979 = arith.andi %and3A_975, %ge3A_978 : vector<16xi1>
        %lt3A_980 = arith.constant 2.555000e+02 : f32
        %lt3A_981 = vector.broadcast %lt3A_980 : f32 to vector<16xf32>
        %lt3A_982 = arith.cmpf olt, %add3A_964, %lt3A_981 : vector<16xf32>
        %and3A_983 = arith.andi %and3A_979, %lt3A_982 : vector<16xi1>
        %ge3A_984 = arith.constant -5.000000e-01 : f32
        %ge3A_985 = vector.broadcast %ge3A_984 : f32 to vector<16xf32>
        %ge3A_986 = arith.cmpf oge, %add3A_968, %ge3A_985 : vector<16xf32>
        %and3A_987 = arith.andi %and3A_983, %ge3A_986 : vector<16xi1>
        %lt3A_988 = arith.constant 2.555000e+02 : f32
        %lt3A_989 = vector.broadcast %lt3A_988 : f32 to vector<16xf32>
        %lt3A_990 = arith.cmpf olt, %add3A_968, %lt3A_989 : vector<16xf32>
        %and3A_991 = arith.andi %and3A_987, %lt3A_990 : vector<16xi1>
        %add3A_992 = arith.constant 5.000000e-01 : f32
        %add3A_993 = vector.broadcast %add3A_992 : f32 to vector<16xf32>
        %add3A_994 = arith.addf %add3A_960, %add3A_993 : vector<16xf32>
        %convert_element_type3A_995 = arith.fptosi %add3A_994 : vector<16xf32> to vector<16xi32>
        %add3A_996 = arith.constant 5.000000e-01 : f32
        %add3A_997 = vector.broadcast %add3A_996 : f32 to vector<16xf32>
        %add3A_998 = arith.addf %add3A_964, %add3A_997 : vector<16xf32>
        %convert_element_type3A_999 = arith.fptosi %add3A_998 : vector<16xf32> to vector<16xi32>
        %add3A_1000 = arith.constant 5.000000e-01 : f32
        %add3A_1001 = vector.broadcast %add3A_1000 : f32 to vector<16xf32>
        %add3A_1002 = arith.addf %add3A_968, %add3A_1001 : vector<16xf32>
        %convert_element_type3A_1003 = arith.fptosi %add3A_1002 : vector<16xf32> to vector<16xi32>
        %mul3A_1004 = arith.constant 65536 : i32
        %mul3A_1005 = vector.broadcast %mul3A_1004 : i32 to vector<16xi32>
        %mul3A_1006 = arith.muli %convert_element_type3A_995, %mul3A_1005 : vector<16xi32>
        %mul3A_1007 = arith.constant 256 : i32
        %mul3A_1008 = vector.broadcast %mul3A_1007 : i32 to vector<16xi32>
        %mul3A_1009 = arith.muli %convert_element_type3A_999, %mul3A_1008 : vector<16xi32>
        %add3A_1010 = arith.addi %mul3A_1006, %mul3A_1009 : vector<16xi32>
        %add3A_1011 = arith.addi %add3A_1010, %convert_element_type3A_1003 : vector<16xi32>
        %shift_right_arithmetic3A_1012 = arith.constant 2 : i32
        %shift_right_arithmetic3A_1013 = vector.broadcast %shift_right_arithmetic3A_1012 : i32 to vector<16xi32>
        %shift_right_arithmetic3A_1014 = arith.shrsi %add3A_1011, %shift_right_arithmetic3A_1013 : vector<16xi32>
        %max3A_1015 = arith.constant 0 : i32
        %max3A_1016 = vector.broadcast %max3A_1015 : i32 to vector<16xi32>
        %max3A_1017 = arith.maxsi %shift_right_arithmetic3A_1014, %max3A_1016 : vector<16xi32>
        %min3A_1018 = arith.constant 4194303 : i32
        %min3A_1019 = vector.broadcast %min3A_1018 : i32 to vector<16xi32>
        %min3A_1020 = arith.minsi %max3A_1017, %min3A_1019 : vector<16xi32>
        %and3A_1021 = arith.constant 3 : i32
        %and3A_1022 = vector.broadcast %and3A_1021 : i32 to vector<16xi32>
        %and3A_1023 = arith.andi %add3A_1011, %and3A_1022 : vector<16xi32>
        %shift_left3A_1024 = arith.constant 3 : i32
        %shift_left3A_1025 = vector.broadcast %shift_left3A_1024 : i32 to vector<16xi32>
        %shift_left3A_1026 = arith.shli %and3A_1023, %shift_left3A_1025 : vector<16xi32>
        %jit3A_1027 = arith.constant 32 : i32
        %jit3A_1028 = arith.constant 0 : i32
        %broadcast_in_dim3A_1029 = vector.broadcast %jit3A_1027 : i32 to vector<16xi32>
        %broadcast_in_dim3A_1030 = vector.broadcast %jit3A_1028 : i32 to vector<16xi32>
        %select_n3A_1031 = arith.select %and3A_991, %broadcast_in_dim3A_1029, %broadcast_in_dim3A_1030 : vector<16xi1>, vector<16xi32>
        %or3A_1032 = arith.ori %shift_left3A_1026, %select_n3A_1031 : vector<16xi32>
        %swap3A_1033 = arith.index_cast %scan3A_316 : i32 to index
        %swap3A_1034 = arith.constant 96 : index
        %swap3A_1035 = tpu.vector_load %arg7[%swap3A_1033, %swap3A_1034] {strides = array<i32>} : memref<16x128xi32, #tpu.memory_space<vmem>>, vector<16xi32>,
        tpu.vector_store %arg7[%swap3A_1033, %swap3A_1034], %min3A_1020 {strides = array<i32>} : memref<16x128xi32, #tpu.memory_space<vmem>>, vector<16xi32>,
        %mul3A_1036 = arith.constant 128 : i32
        %mul3A_1037 = arith.muli %scan3A_316, %mul3A_1036 : i32
        %add3A_1038 = arith.constant 96 : i32
        %add3A_1039 = arith.addi %mul3A_1037, %add3A_1038 : i32
        %swap3A_1040 = arith.index_cast %add3A_1039 : i32 to index
        %swap3A_1041 = tpu.vector_load %arg9[%swap3A_1040] {strides = array<i32>} : memref<2048xi32, #tpu.memory_space<vmem>>, vector<16xi32>,
        tpu.vector_store %arg9[%swap3A_1040], %or3A_1032 {strides = array<i32>} : memref<2048xi32, #tpu.memory_space<vmem>>, vector<16xi32>,
        %mul3A_1042 = arith.constant 128 : i32
        %mul3A_1043 = arith.muli %scan3A_316, %mul3A_1042 : i32
        %add3A_1044 = arith.constant 112 : i32
        %add3A_1045 = arith.addi %mul3A_1043, %add3A_1044 : i32
        %mul3A_1046 = arith.constant 3 : i32
        %mul3A_1047 = arith.muli %add3A_1045, %mul3A_1046 : i32
        %mul3A_1048 = arith.constant 3 : i32
        %mul3A_1049 = vector.broadcast %mul3A_1048 : i32 to vector<16xi32>
        %mul3A_1050 = arith.muli %iota3A, %mul3A_1049 : vector<16xi32>
        %add3A_1051 = vector.broadcast %mul3A_1047 : i32 to vector<16xi32>
        %add3A_1052 = arith.addi %add3A_1051, %mul3A_1050 : vector<16xi32>
        %gather3A_1053 = tpu.vector_load_idx %arg6[%add3A_1052] : memref<6144xf32, #tpu.memory_space<vmem>>[vector<16xi32>], vector<16xf32>,
        %add3A_1054 = arith.constant 1 : i32
        %add3A_1055 = vector.broadcast %add3A_1054 : i32 to vector<16xi32>
        %add3A_1056 = arith.addi %add3A_1052, %add3A_1055 : vector<16xi32>
        %gather3A_1057 = tpu.vector_load_idx %arg6[%add3A_1056] : memref<6144xf32, #tpu.memory_space<vmem>>[vector<16xi32>], vector<16xf32>,
        %add3A_1058 = arith.constant 2 : i32
        %add3A_1059 = vector.broadcast %add3A_1058 : i32 to vector<16xi32>
        %add3A_1060 = arith.addi %add3A_1052, %add3A_1059 : vector<16xi32>
        %gather3A_1061 = tpu.vector_load_idx %arg6[%add3A_1060] : memref<6144xf32, #tpu.memory_space<vmem>>[vector<16xi32>], vector<16xf32>,
        %mul3A_1062 = vector.broadcast %squeeze3A : f32 to vector<16xf32>
        %mul3A_1063 = arith.mulf %gather3A_1053, %mul3A_1062 : vector<16xf32>
        %add3A_1064 = vector.broadcast %squeeze3A_7 : f32 to vector<16xf32>
        %add3A_1065 = arith.addf %mul3A_1063, %add3A_1064 : vector<16xf32>
        %mul3A_1066 = vector.broadcast %squeeze3A_3 : f32 to vector<16xf32>
        %mul3A_1067 = arith.mulf %gather3A_1057, %mul3A_1066 : vector<16xf32>
        %add3A_1068 = vector.broadcast %squeeze3A_9 : f32 to vector<16xf32>
        %add3A_1069 = arith.addf %mul3A_1067, %add3A_1068 : vector<16xf32>
        %mul3A_1070 = vector.broadcast %squeeze3A_5 : f32 to vector<16xf32>
        %mul3A_1071 = arith.mulf %gather3A_1061, %mul3A_1070 : vector<16xf32>
        %add3A_1072 = vector.broadcast %squeeze3A_11 : f32 to vector<16xf32>
        %add3A_1073 = arith.addf %mul3A_1071, %add3A_1072 : vector<16xf32>
        %ge3A_1074 = arith.constant -5.000000e-01 : f32
        %ge3A_1075 = vector.broadcast %ge3A_1074 : f32 to vector<16xf32>
        %ge3A_1076 = arith.cmpf oge, %add3A_1065, %ge3A_1075 : vector<16xf32>
        %lt3A_1077 = arith.constant 2.555000e+02 : f32
        %lt3A_1078 = vector.broadcast %lt3A_1077 : f32 to vector<16xf32>
        %lt3A_1079 = arith.cmpf olt, %add3A_1065, %lt3A_1078 : vector<16xf32>
        %and3A_1080 = arith.andi %ge3A_1076, %lt3A_1079 : vector<16xi1>
        %ge3A_1081 = arith.constant -5.000000e-01 : f32
        %ge3A_1082 = vector.broadcast %ge3A_1081 : f32 to vector<16xf32>
        %ge3A_1083 = arith.cmpf oge, %add3A_1069, %ge3A_1082 : vector<16xf32>
        %and3A_1084 = arith.andi %and3A_1080, %ge3A_1083 : vector<16xi1>
        %lt3A_1085 = arith.constant 2.555000e+02 : f32
        %lt3A_1086 = vector.broadcast %lt3A_1085 : f32 to vector<16xf32>
        %lt3A_1087 = arith.cmpf olt, %add3A_1069, %lt3A_1086 : vector<16xf32>
        %and3A_1088 = arith.andi %and3A_1084, %lt3A_1087 : vector<16xi1>
        %ge3A_1089 = arith.constant -5.000000e-01 : f32
        %ge3A_1090 = vector.broadcast %ge3A_1089 : f32 to vector<16xf32>
        %ge3A_1091 = arith.cmpf oge, %add3A_1073, %ge3A_1090 : vector<16xf32>
        %and3A_1092 = arith.andi %and3A_1088, %ge3A_1091 : vector<16xi1>
        %lt3A_1093 = arith.constant 2.555000e+02 : f32
        %lt3A_1094 = vector.broadcast %lt3A_1093 : f32 to vector<16xf32>
        %lt3A_1095 = arith.cmpf olt, %add3A_1073, %lt3A_1094 : vector<16xf32>
        %and3A_1096 = arith.andi %and3A_1092, %lt3A_1095 : vector<16xi1>
        %add3A_1097 = arith.constant 5.000000e-01 : f32
        %add3A_1098 = vector.broadcast %add3A_1097 : f32 to vector<16xf32>
        %add3A_1099 = arith.addf %add3A_1065, %add3A_1098 : vector<16xf32>
        %convert_element_type3A_1100 = arith.fptosi %add3A_1099 : vector<16xf32> to vector<16xi32>
        %add3A_1101 = arith.constant 5.000000e-01 : f32
        %add3A_1102 = vector.broadcast %add3A_1101 : f32 to vector<16xf32>
        %add3A_1103 = arith.addf %add3A_1069, %add3A_1102 : vector<16xf32>
        %convert_element_type3A_1104 = arith.fptosi %add3A_1103 : vector<16xf32> to vector<16xi32>
        %add3A_1105 = arith.constant 5.000000e-01 : f32
        %add3A_1106 = vector.broadcast %add3A_1105 : f32 to vector<16xf32>
        %add3A_1107 = arith.addf %add3A_1073, %add3A_1106 : vector<16xf32>
        %convert_element_type3A_1108 = arith.fptosi %add3A_1107 : vector<16xf32> to vector<16xi32>
        %mul3A_1109 = arith.constant 65536 : i32
        %mul3A_1110 = vector.broadcast %mul3A_1109 : i32 to vector<16xi32>
        %mul3A_1111 = arith.muli %convert_element_type3A_1100, %mul3A_1110 : vector<16xi32>
        %mul3A_1112 = arith.constant 256 : i32
        %mul3A_1113 = vector.broadcast %mul3A_1112 : i32 to vector<16xi32>
        %mul3A_1114 = arith.muli %convert_element_type3A_1104, %mul3A_1113 : vector<16xi32>
        %add3A_1115 = arith.addi %mul3A_1111, %mul3A_1114 : vector<16xi32>
        %add3A_1116 = arith.addi %add3A_1115, %convert_element_type3A_1108 : vector<16xi32>
        %shift_right_arithmetic3A_1117 = arith.constant 2 : i32
        %shift_right_arithmetic3A_1118 = vector.broadcast %shift_right_arithmetic3A_1117 : i32 to vector<16xi32>
        %shift_right_arithmetic3A_1119 = arith.shrsi %add3A_1116, %shift_right_arithmetic3A_1118 : vector<16xi32>
        %max3A_1120 = arith.constant 0 : i32
        %max3A_1121 = vector.broadcast %max3A_1120 : i32 to vector<16xi32>
        %max3A_1122 = arith.maxsi %shift_right_arithmetic3A_1119, %max3A_1121 : vector<16xi32>
        %min3A_1123 = arith.constant 4194303 : i32
        %min3A_1124 = vector.broadcast %min3A_1123 : i32 to vector<16xi32>
        %min3A_1125 = arith.minsi %max3A_1122, %min3A_1124 : vector<16xi32>
        %and3A_1126 = arith.constant 3 : i32
        %and3A_1127 = vector.broadcast %and3A_1126 : i32 to vector<16xi32>
        %and3A_1128 = arith.andi %add3A_1116, %and3A_1127 : vector<16xi32>
        %shift_left3A_1129 = arith.constant 3 : i32
        %shift_left3A_1130 = vector.broadcast %shift_left3A_1129 : i32 to vector<16xi32>
        %shift_left3A_1131 = arith.shli %and3A_1128, %shift_left3A_1130 : vector<16xi32>
        %jit3A_1132 = arith.constant 32 : i32
        %jit3A_1133 = arith.constant 0 : i32
        %broadcast_in_dim3A_1134 = vector.broadcast %jit3A_1132 : i32 to vector<16xi32>
        %broadcast_in_dim3A_1135 = vector.broadcast %jit3A_1133 : i32 to vector<16xi32>
        %select_n3A_1136 = arith.select %and3A_1096, %broadcast_in_dim3A_1134, %broadcast_in_dim3A_1135 : vector<16xi1>, vector<16xi32>
        %or3A_1137 = arith.ori %shift_left3A_1131, %select_n3A_1136 : vector<16xi32>
        %swap3A_1138 = arith.index_cast %scan3A_316 : i32 to index
        %swap3A_1139 = arith.constant 112 : index
        %swap3A_1140 = tpu.vector_load %arg7[%swap3A_1138, %swap3A_1139] {strides = array<i32>} : memref<16x128xi32, #tpu.memory_space<vmem>>, vector<16xi32>,
        tpu.vector_store %arg7[%swap3A_1138, %swap3A_1139], %min3A_1125 {strides = array<i32>} : memref<16x128xi32, #tpu.memory_space<vmem>>, vector<16xi32>,
        %mul3A_1141 = arith.constant 128 : i32
        %mul3A_1142 = arith.muli %scan3A_316, %mul3A_1141 : i32
        %add3A_1143 = arith.constant 112 : i32
        %add3A_1144 = arith.addi %mul3A_1142, %add3A_1143 : i32
        %swap3A_1145 = arith.index_cast %add3A_1144 : i32 to index
        %swap3A_1146 = tpu.vector_load %arg9[%swap3A_1145] {strides = array<i32>} : memref<2048xi32, #tpu.memory_space<vmem>>, vector<16xi32>,
        tpu.vector_store %arg9[%swap3A_1145], %or3A_1137 {strides = array<i32>} : memref<2048xi32, #tpu.memory_space<vmem>>, vector<16xi32>,
        %scan3A_1147 = arith.constant 0 : i32
        scf.yield %scan3A_1147 : i32
      }
      %scan3A_33 = arith.constant 16 : i32
      %dma_start3A = arith.constant 0 : i32
      %dma_start3A_34 = arith.constant 0 : i32
      %dma_start3A_35 = tpu.memref_slice %arg8[%dma_start3A_34] : memref<2048xi32, #tpu.memory_space<vmem>> -> memref<128xi32, #tpu.memory_space<vmem>>
      %dma_start3A_36 = arith.constant 0 : i32
      %dma_start3A_37 = tpu.memref_slice %arg7[%dma_start3A, %dma_start3A_36] : memref<16x128xi32, #tpu.memory_space<vmem>> -> memref<1x128xi32, #tpu.memory_space<vmem>>
      %dma_start3A_38 = tpu.memref_squeeze %dma_start3A_37 : memref<1x128xi32, #tpu.memory_space<vmem>> -> memref<128xi32, #tpu.memory_space<vmem>>
      %dma_start3A_39 = arith.constant 0 : i32
      %dma_start3A_40 = tpu.memref_slice %arg3[%dma_start3A_39] : memref<4194304xi32, #tpu.memory_space<hbm>> -> memref<4194304xi32, #tpu.memory_space<hbm>>
      tpu.enqueue_indirect_dma source(%dma_start3A_40 : memref<4194304xi32, #tpu.memory_space<hbm>>) target(%dma_start3A_35 : memref<128xi32, #tpu.memory_space<vmem>>) offsets(%dma_start3A_38 : memref<128xi32, #tpu.memory_space<vmem>>) semaphore(%arg12 : memref<!tpu.dma_semaphore, #tpu.memory_space<semaphore_mem>>)
      %dma_start3A_41 = arith.constant 1 : i32
      %dma_start3A_42 = arith.constant 128 : i32
      %dma_start3A_43 = tpu.memref_slice %arg8[%dma_start3A_42] : memref<2048xi32, #tpu.memory_space<vmem>> -> memref<128xi32, #tpu.memory_space<vmem>>
      %dma_start3A_44 = arith.constant 0 : i32
      %dma_start3A_45 = tpu.memref_slice %arg7[%dma_start3A_41, %dma_start3A_44] : memref<16x128xi32, #tpu.memory_space<vmem>> -> memref<1x128xi32, #tpu.memory_space<vmem>>
      %dma_start3A_46 = tpu.memref_squeeze %dma_start3A_45 : memref<1x128xi32, #tpu.memory_space<vmem>> -> memref<128xi32, #tpu.memory_space<vmem>>
      %dma_start3A_47 = arith.constant 0 : i32
      %dma_start3A_48 = tpu.memref_slice %arg3[%dma_start3A_47] : memref<4194304xi32, #tpu.memory_space<hbm>> -> memref<4194304xi32, #tpu.memory_space<hbm>>
      tpu.enqueue_indirect_dma source(%dma_start3A_48 : memref<4194304xi32, #tpu.memory_space<hbm>>) target(%dma_start3A_43 : memref<128xi32, #tpu.memory_space<vmem>>) offsets(%dma_start3A_46 : memref<128xi32, #tpu.memory_space<vmem>>) semaphore(%arg12 : memref<!tpu.dma_semaphore, #tpu.memory_space<semaphore_mem>>)
      %dma_start3A_49 = arith.constant 2 : i32
      %dma_start3A_50 = arith.constant 256 : i32
      %dma_start3A_51 = tpu.memref_slice %arg8[%dma_start3A_50] : memref<2048xi32, #tpu.memory_space<vmem>> -> memref<128xi32, #tpu.memory_space<vmem>>
      %dma_start3A_52 = arith.constant 0 : i32
      %dma_start3A_53 = tpu.memref_slice %arg7[%dma_start3A_49, %dma_start3A_52] : memref<16x128xi32, #tpu.memory_space<vmem>> -> memref<1x128xi32, #tpu.memory_space<vmem>>
      %dma_start3A_54 = tpu.memref_squeeze %dma_start3A_53 : memref<1x128xi32, #tpu.memory_space<vmem>> -> memref<128xi32, #tpu.memory_space<vmem>>
      %dma_start3A_55 = arith.constant 0 : i32
      %dma_start3A_56 = tpu.memref_slice %arg3[%dma_start3A_55] : memref<4194304xi32, #tpu.memory_space<hbm>> -> memref<4194304xi32, #tpu.memory_space<hbm>>
      tpu.enqueue_indirect_dma source(%dma_start3A_56 : memref<4194304xi32, #tpu.memory_space<hbm>>) target(%dma_start3A_51 : memref<128xi32, #tpu.memory_space<vmem>>) offsets(%dma_start3A_54 : memref<128xi32, #tpu.memory_space<vmem>>) semaphore(%arg12 : memref<!tpu.dma_semaphore, #tpu.memory_space<semaphore_mem>>)
      %dma_start3A_57 = arith.constant 3 : i32
      %dma_start3A_58 = arith.constant 384 : i32
      %dma_start3A_59 = tpu.memref_slice %arg8[%dma_start3A_58] : memref<2048xi32, #tpu.memory_space<vmem>> -> memref<128xi32, #tpu.memory_space<vmem>>
      %dma_start3A_60 = arith.constant 0 : i32
      %dma_start3A_61 = tpu.memref_slice %arg7[%dma_start3A_57, %dma_start3A_60] : memref<16x128xi32, #tpu.memory_space<vmem>> -> memref<1x128xi32, #tpu.memory_space<vmem>>
      %dma_start3A_62 = tpu.memref_squeeze %dma_start3A_61 : memref<1x128xi32, #tpu.memory_space<vmem>> -> memref<128xi32, #tpu.memory_space<vmem>>
      %dma_start3A_63 = arith.constant 0 : i32
      %dma_start3A_64 = tpu.memref_slice %arg3[%dma_start3A_63] : memref<4194304xi32, #tpu.memory_space<hbm>> -> memref<4194304xi32, #tpu.memory_space<hbm>>
      tpu.enqueue_indirect_dma source(%dma_start3A_64 : memref<4194304xi32, #tpu.memory_space<hbm>>) target(%dma_start3A_59 : memref<128xi32, #tpu.memory_space<vmem>>) offsets(%dma_start3A_62 : memref<128xi32, #tpu.memory_space<vmem>>) semaphore(%arg12 : memref<!tpu.dma_semaphore, #tpu.memory_space<semaphore_mem>>)
      %dma_start3A_65 = arith.constant 4 : i32
      %dma_start3A_66 = arith.constant 512 : i32
      %dma_start3A_67 = tpu.memref_slice %arg8[%dma_start3A_66] : memref<2048xi32, #tpu.memory_space<vmem>> -> memref<128xi32, #tpu.memory_space<vmem>>
      %dma_start3A_68 = arith.constant 0 : i32
      %dma_start3A_69 = tpu.memref_slice %arg7[%dma_start3A_65, %dma_start3A_68] : memref<16x128xi32, #tpu.memory_space<vmem>> -> memref<1x128xi32, #tpu.memory_space<vmem>>
      %dma_start3A_70 = tpu.memref_squeeze %dma_start3A_69 : memref<1x128xi32, #tpu.memory_space<vmem>> -> memref<128xi32, #tpu.memory_space<vmem>>
      %dma_start3A_71 = arith.constant 0 : i32
      %dma_start3A_72 = tpu.memref_slice %arg3[%dma_start3A_71] : memref<4194304xi32, #tpu.memory_space<hbm>> -> memref<4194304xi32, #tpu.memory_space<hbm>>
      tpu.enqueue_indirect_dma source(%dma_start3A_72 : memref<4194304xi32, #tpu.memory_space<hbm>>) target(%dma_start3A_67 : memref<128xi32, #tpu.memory_space<vmem>>) offsets(%dma_start3A_70 : memref<128xi32, #tpu.memory_space<vmem>>) semaphore(%arg12 : memref<!tpu.dma_semaphore, #tpu.memory_space<semaphore_mem>>)
      %dma_start3A_73 = arith.constant 5 : i32
      %dma_start3A_74 = arith.constant 640 : i32
      %dma_start3A_75 = tpu.memref_slice %arg8[%dma_start3A_74] : memref<2048xi32, #tpu.memory_space<vmem>> -> memref<128xi32, #tpu.memory_space<vmem>>
      %dma_start3A_76 = arith.constant 0 : i32
      %dma_start3A_77 = tpu.memref_slice %arg7[%dma_start3A_73, %dma_start3A_76] : memref<16x128xi32, #tpu.memory_space<vmem>> -> memref<1x128xi32, #tpu.memory_space<vmem>>
      %dma_start3A_78 = tpu.memref_squeeze %dma_start3A_77 : memref<1x128xi32, #tpu.memory_space<vmem>> -> memref<128xi32, #tpu.memory_space<vmem>>
      %dma_start3A_79 = arith.constant 0 : i32
      %dma_start3A_80 = tpu.memref_slice %arg3[%dma_start3A_79] : memref<4194304xi32, #tpu.memory_space<hbm>> -> memref<4194304xi32, #tpu.memory_space<hbm>>
      tpu.enqueue_indirect_dma source(%dma_start3A_80 : memref<4194304xi32, #tpu.memory_space<hbm>>) target(%dma_start3A_75 : memref<128xi32, #tpu.memory_space<vmem>>) offsets(%dma_start3A_78 : memref<128xi32, #tpu.memory_space<vmem>>) semaphore(%arg12 : memref<!tpu.dma_semaphore, #tpu.memory_space<semaphore_mem>>)
      %dma_start3A_81 = arith.constant 6 : i32
      %dma_start3A_82 = arith.constant 768 : i32
      %dma_start3A_83 = tpu.memref_slice %arg8[%dma_start3A_82] : memref<2048xi32, #tpu.memory_space<vmem>> -> memref<128xi32, #tpu.memory_space<vmem>>
      %dma_start3A_84 = arith.constant 0 : i32
      %dma_start3A_85 = tpu.memref_slice %arg7[%dma_start3A_81, %dma_start3A_84] : memref<16x128xi32, #tpu.memory_space<vmem>> -> memref<1x128xi32, #tpu.memory_space<vmem>>
      %dma_start3A_86 = tpu.memref_squeeze %dma_start3A_85 : memref<1x128xi32, #tpu.memory_space<vmem>> -> memref<128xi32, #tpu.memory_space<vmem>>
      %dma_start3A_87 = arith.constant 0 : i32
      %dma_start3A_88 = tpu.memref_slice %arg3[%dma_start3A_87] : memref<4194304xi32, #tpu.memory_space<hbm>> -> memref<4194304xi32, #tpu.memory_space<hbm>>
      tpu.enqueue_indirect_dma source(%dma_start3A_88 : memref<4194304xi32, #tpu.memory_space<hbm>>) target(%dma_start3A_83 : memref<128xi32, #tpu.memory_space<vmem>>) offsets(%dma_start3A_86 : memref<128xi32, #tpu.memory_space<vmem>>) semaphore(%arg12 : memref<!tpu.dma_semaphore, #tpu.memory_space<semaphore_mem>>)
      %dma_start3A_89 = arith.constant 7 : i32
      %dma_start3A_90 = arith.constant 896 : i32
      %dma_start3A_91 = tpu.memref_slice %arg8[%dma_start3A_90] : memref<2048xi32, #tpu.memory_space<vmem>> -> memref<128xi32, #tpu.memory_space<vmem>>
      %dma_start3A_92 = arith.constant 0 : i32
      %dma_start3A_93 = tpu.memref_slice %arg7[%dma_start3A_89, %dma_start3A_92] : memref<16x128xi32, #tpu.memory_space<vmem>> -> memref<1x128xi32, #tpu.memory_space<vmem>>
      %dma_start3A_94 = tpu.memref_squeeze %dma_start3A_93 : memref<1x128xi32, #tpu.memory_space<vmem>> -> memref<128xi32, #tpu.memory_space<vmem>>
      %dma_start3A_95 = arith.constant 0 : i32
      %dma_start3A_96 = tpu.memref_slice %arg3[%dma_start3A_95] : memref<4194304xi32, #tpu.memory_space<hbm>> -> memref<4194304xi32, #tpu.memory_space<hbm>>
      tpu.enqueue_indirect_dma source(%dma_start3A_96 : memref<4194304xi32, #tpu.memory_space<hbm>>) target(%dma_start3A_91 : memref<128xi32, #tpu.memory_space<vmem>>) offsets(%dma_start3A_94 : memref<128xi32, #tpu.memory_space<vmem>>) semaphore(%arg12 : memref<!tpu.dma_semaphore, #tpu.memory_space<semaphore_mem>>)
      %dma_start3A_97 = arith.constant 8 : i32
      %dma_start3A_98 = arith.constant 1024 : i32
      %dma_start3A_99 = tpu.memref_slice %arg8[%dma_start3A_98] : memref<2048xi32, #tpu.memory_space<vmem>> -> memref<128xi32, #tpu.memory_space<vmem>>
      %dma_start3A_100 = arith.constant 0 : i32
      %dma_start3A_101 = tpu.memref_slice %arg7[%dma_start3A_97, %dma_start3A_100] : memref<16x128xi32, #tpu.memory_space<vmem>> -> memref<1x128xi32, #tpu.memory_space<vmem>>
      %dma_start3A_102 = tpu.memref_squeeze %dma_start3A_101 : memref<1x128xi32, #tpu.memory_space<vmem>> -> memref<128xi32, #tpu.memory_space<vmem>>
      %dma_start3A_103 = arith.constant 0 : i32
      %dma_start3A_104 = tpu.memref_slice %arg3[%dma_start3A_103] : memref<4194304xi32, #tpu.memory_space<hbm>> -> memref<4194304xi32, #tpu.memory_space<hbm>>
      tpu.enqueue_indirect_dma source(%dma_start3A_104 : memref<4194304xi32, #tpu.memory_space<hbm>>) target(%dma_start3A_99 : memref<128xi32, #tpu.memory_space<vmem>>) offsets(%dma_start3A_102 : memref<128xi32, #tpu.memory_space<vmem>>) semaphore(%arg12 : memref<!tpu.dma_semaphore, #tpu.memory_space<semaphore_mem>>)
      %dma_start3A_105 = arith.constant 9 : i32
      %dma_start3A_106 = arith.constant 1152 : i32
      %dma_start3A_107 = tpu.memref_slice %arg8[%dma_start3A_106] : memref<2048xi32, #tpu.memory_space<vmem>> -> memref<128xi32, #tpu.memory_space<vmem>>
      %dma_start3A_108 = arith.constant 0 : i32
      %dma_start3A_109 = tpu.memref_slice %arg7[%dma_start3A_105, %dma_start3A_108] : memref<16x128xi32, #tpu.memory_space<vmem>> -> memref<1x128xi32, #tpu.memory_space<vmem>>
      %dma_start3A_110 = tpu.memref_squeeze %dma_start3A_109 : memref<1x128xi32, #tpu.memory_space<vmem>> -> memref<128xi32, #tpu.memory_space<vmem>>
      %dma_start3A_111 = arith.constant 0 : i32
      %dma_start3A_112 = tpu.memref_slice %arg3[%dma_start3A_111] : memref<4194304xi32, #tpu.memory_space<hbm>> -> memref<4194304xi32, #tpu.memory_space<hbm>>
      tpu.enqueue_indirect_dma source(%dma_start3A_112 : memref<4194304xi32, #tpu.memory_space<hbm>>) target(%dma_start3A_107 : memref<128xi32, #tpu.memory_space<vmem>>) offsets(%dma_start3A_110 : memref<128xi32, #tpu.memory_space<vmem>>) semaphore(%arg12 : memref<!tpu.dma_semaphore, #tpu.memory_space<semaphore_mem>>)
      %dma_start3A_113 = arith.constant 10 : i32
      %dma_start3A_114 = arith.constant 1280 : i32
      %dma_start3A_115 = tpu.memref_slice %arg8[%dma_start3A_114] : memref<2048xi32, #tpu.memory_space<vmem>> -> memref<128xi32, #tpu.memory_space<vmem>>
      %dma_start3A_116 = arith.constant 0 : i32
      %dma_start3A_117 = tpu.memref_slice %arg7[%dma_start3A_113, %dma_start3A_116] : memref<16x128xi32, #tpu.memory_space<vmem>> -> memref<1x128xi32, #tpu.memory_space<vmem>>
      %dma_start3A_118 = tpu.memref_squeeze %dma_start3A_117 : memref<1x128xi32, #tpu.memory_space<vmem>> -> memref<128xi32, #tpu.memory_space<vmem>>
      %dma_start3A_119 = arith.constant 0 : i32
      %dma_start3A_120 = tpu.memref_slice %arg3[%dma_start3A_119] : memref<4194304xi32, #tpu.memory_space<hbm>> -> memref<4194304xi32, #tpu.memory_space<hbm>>
      tpu.enqueue_indirect_dma source(%dma_start3A_120 : memref<4194304xi32, #tpu.memory_space<hbm>>) target(%dma_start3A_115 : memref<128xi32, #tpu.memory_space<vmem>>) offsets(%dma_start3A_118 : memref<128xi32, #tpu.memory_space<vmem>>) semaphore(%arg12 : memref<!tpu.dma_semaphore, #tpu.memory_space<semaphore_mem>>)
      %dma_start3A_121 = arith.constant 11 : i32
      %dma_start3A_122 = arith.constant 1408 : i32
      %dma_start3A_123 = tpu.memref_slice %arg8[%dma_start3A_122] : memref<2048xi32, #tpu.memory_space<vmem>> -> memref<128xi32, #tpu.memory_space<vmem>>
      %dma_start3A_124 = arith.constant 0 : i32
      %dma_start3A_125 = tpu.memref_slice %arg7[%dma_start3A_121, %dma_start3A_124] : memref<16x128xi32, #tpu.memory_space<vmem>> -> memref<1x128xi32, #tpu.memory_space<vmem>>
      %dma_start3A_126 = tpu.memref_squeeze %dma_start3A_125 : memref<1x128xi32, #tpu.memory_space<vmem>> -> memref<128xi32, #tpu.memory_space<vmem>>
      %dma_start3A_127 = arith.constant 0 : i32
      %dma_start3A_128 = tpu.memref_slice %arg3[%dma_start3A_127] : memref<4194304xi32, #tpu.memory_space<hbm>> -> memref<4194304xi32, #tpu.memory_space<hbm>>
      tpu.enqueue_indirect_dma source(%dma_start3A_128 : memref<4194304xi32, #tpu.memory_space<hbm>>) target(%dma_start3A_123 : memref<128xi32, #tpu.memory_space<vmem>>) offsets(%dma_start3A_126 : memref<128xi32, #tpu.memory_space<vmem>>) semaphore(%arg12 : memref<!tpu.dma_semaphore, #tpu.memory_space<semaphore_mem>>)
      %dma_start3A_129 = arith.constant 12 : i32
      %dma_start3A_130 = arith.constant 1536 : i32
      %dma_start3A_131 = tpu.memref_slice %arg8[%dma_start3A_130] : memref<2048xi32, #tpu.memory_space<vmem>> -> memref<128xi32, #tpu.memory_space<vmem>>
      %dma_start3A_132 = arith.constant 0 : i32
      %dma_start3A_133 = tpu.memref_slice %arg7[%dma_start3A_129, %dma_start3A_132] : memref<16x128xi32, #tpu.memory_space<vmem>> -> memref<1x128xi32, #tpu.memory_space<vmem>>
      %dma_start3A_134 = tpu.memref_squeeze %dma_start3A_133 : memref<1x128xi32, #tpu.memory_space<vmem>> -> memref<128xi32, #tpu.memory_space<vmem>>
      %dma_start3A_135 = arith.constant 0 : i32
      %dma_start3A_136 = tpu.memref_slice %arg3[%dma_start3A_135] : memref<4194304xi32, #tpu.memory_space<hbm>> -> memref<4194304xi32, #tpu.memory_space<hbm>>
      tpu.enqueue_indirect_dma source(%dma_start3A_136 : memref<4194304xi32, #tpu.memory_space<hbm>>) target(%dma_start3A_131 : memref<128xi32, #tpu.memory_space<vmem>>) offsets(%dma_start3A_134 : memref<128xi32, #tpu.memory_space<vmem>>) semaphore(%arg12 : memref<!tpu.dma_semaphore, #tpu.memory_space<semaphore_mem>>)
      %dma_start3A_137 = arith.constant 13 : i32
      %dma_start3A_138 = arith.constant 1664 : i32
      %dma_start3A_139 = tpu.memref_slice %arg8[%dma_start3A_138] : memref<2048xi32, #tpu.memory_space<vmem>> -> memref<128xi32, #tpu.memory_space<vmem>>
      %dma_start3A_140 = arith.constant 0 : i32
      %dma_start3A_141 = tpu.memref_slice %arg7[%dma_start3A_137, %dma_start3A_140] : memref<16x128xi32, #tpu.memory_space<vmem>> -> memref<1x128xi32, #tpu.memory_space<vmem>>
      %dma_start3A_142 = tpu.memref_squeeze %dma_start3A_141 : memref<1x128xi32, #tpu.memory_space<vmem>> -> memref<128xi32, #tpu.memory_space<vmem>>
      %dma_start3A_143 = arith.constant 0 : i32
      %dma_start3A_144 = tpu.memref_slice %arg3[%dma_start3A_143] : memref<4194304xi32, #tpu.memory_space<hbm>> -> memref<4194304xi32, #tpu.memory_space<hbm>>
      tpu.enqueue_indirect_dma source(%dma_start3A_144 : memref<4194304xi32, #tpu.memory_space<hbm>>) target(%dma_start3A_139 : memref<128xi32, #tpu.memory_space<vmem>>) offsets(%dma_start3A_142 : memref<128xi32, #tpu.memory_space<vmem>>) semaphore(%arg12 : memref<!tpu.dma_semaphore, #tpu.memory_space<semaphore_mem>>)
      %dma_start3A_145 = arith.constant 14 : i32
      %dma_start3A_146 = arith.constant 1792 : i32
      %dma_start3A_147 = tpu.memref_slice %arg8[%dma_start3A_146] : memref<2048xi32, #tpu.memory_space<vmem>> -> memref<128xi32, #tpu.memory_space<vmem>>
      %dma_start3A_148 = arith.constant 0 : i32
      %dma_start3A_149 = tpu.memref_slice %arg7[%dma_start3A_145, %dma_start3A_148] : memref<16x128xi32, #tpu.memory_space<vmem>> -> memref<1x128xi32, #tpu.memory_space<vmem>>
      %dma_start3A_150 = tpu.memref_squeeze %dma_start3A_149 : memref<1x128xi32, #tpu.memory_space<vmem>> -> memref<128xi32, #tpu.memory_space<vmem>>
      %dma_start3A_151 = arith.constant 0 : i32
      %dma_start3A_152 = tpu.memref_slice %arg3[%dma_start3A_151] : memref<4194304xi32, #tpu.memory_space<hbm>> -> memref<4194304xi32, #tpu.memory_space<hbm>>
      tpu.enqueue_indirect_dma source(%dma_start3A_152 : memref<4194304xi32, #tpu.memory_space<hbm>>) target(%dma_start3A_147 : memref<128xi32, #tpu.memory_space<vmem>>) offsets(%dma_start3A_150 : memref<128xi32, #tpu.memory_space<vmem>>) semaphore(%arg12 : memref<!tpu.dma_semaphore, #tpu.memory_space<semaphore_mem>>)
      %dma_start3A_153 = arith.constant 15 : i32
      %dma_start3A_154 = arith.constant 1920 : i32
      %dma_start3A_155 = tpu.memref_slice %arg8[%dma_start3A_154] : memref<2048xi32, #tpu.memory_space<vmem>> -> memref<128xi32, #tpu.memory_space<vmem>>
      %dma_start3A_156 = arith.constant 0 : i32
      %dma_start3A_157 = tpu.memref_slice %arg7[%dma_start3A_153, %dma_start3A_156] : memref<16x128xi32, #tpu.memory_space<vmem>> -> memref<1x128xi32, #tpu.memory_space<vmem>>
      %dma_start3A_158 = tpu.memref_squeeze %dma_start3A_157 : memref<1x128xi32, #tpu.memory_space<vmem>> -> memref<128xi32, #tpu.memory_space<vmem>>
      %dma_start3A_159 = arith.constant 0 : i32
      %dma_start3A_160 = tpu.memref_slice %arg3[%dma_start3A_159] : memref<4194304xi32, #tpu.memory_space<hbm>> -> memref<4194304xi32, #tpu.memory_space<hbm>>
      tpu.enqueue_indirect_dma source(%dma_start3A_160 : memref<4194304xi32, #tpu.memory_space<hbm>>) target(%dma_start3A_155 : memref<128xi32, #tpu.memory_space<vmem>>) offsets(%dma_start3A_158 : memref<128xi32, #tpu.memory_space<vmem>>) semaphore(%arg12 : memref<!tpu.dma_semaphore, #tpu.memory_space<semaphore_mem>>)
      %dma_wait3A = arith.constant 0 : i32
      %dma_wait3A_161 = arith.constant 0 : i32
      %dma_wait3A_162 = tpu.memref_slice %arg8[%dma_wait3A_161] : memref<2048xi32, #tpu.memory_space<vmem>> -> memref<128xi32, #tpu.memory_space<vmem>>
      %dma_wait3A_163 = arith.constant 0 : i32
      %dma_wait3A_164 = tpu.memref_slice %arg7[%dma_wait3A, %dma_wait3A_163] : memref<16x128xi32, #tpu.memory_space<vmem>> -> memref<1x128xi32, #tpu.memory_space<vmem>>
      %dma_wait3A_165 = tpu.memref_squeeze %dma_wait3A_164 : memref<1x128xi32, #tpu.memory_space<vmem>> -> memref<128xi32, #tpu.memory_space<vmem>>
      %dma_wait3A_166 = arith.constant 0 : i32
      %dma_wait3A_167 = tpu.memref_slice %arg3[%dma_wait3A_166] : memref<4194304xi32, #tpu.memory_space<hbm>> -> memref<4194304xi32, #tpu.memory_space<hbm>>
      tpu.wait_indirect_dma semaphore(%arg12 : memref<!tpu.dma_semaphore, #tpu.memory_space<semaphore_mem>>) src(%dma_wait3A_167 : memref<4194304xi32, #tpu.memory_space<hbm>>) dst(%dma_wait3A_162 : memref<128xi32, #tpu.memory_space<vmem>>)
      %dma_wait3A_168 = arith.constant 1 : i32
      %dma_wait3A_169 = arith.constant 128 : i32
      %dma_wait3A_170 = tpu.memref_slice %arg8[%dma_wait3A_169] : memref<2048xi32, #tpu.memory_space<vmem>> -> memref<128xi32, #tpu.memory_space<vmem>>
      %dma_wait3A_171 = arith.constant 0 : i32
      %dma_wait3A_172 = tpu.memref_slice %arg7[%dma_wait3A_168, %dma_wait3A_171] : memref<16x128xi32, #tpu.memory_space<vmem>> -> memref<1x128xi32, #tpu.memory_space<vmem>>
      %dma_wait3A_173 = tpu.memref_squeeze %dma_wait3A_172 : memref<1x128xi32, #tpu.memory_space<vmem>> -> memref<128xi32, #tpu.memory_space<vmem>>
      %dma_wait3A_174 = arith.constant 0 : i32
      %dma_wait3A_175 = tpu.memref_slice %arg3[%dma_wait3A_174] : memref<4194304xi32, #tpu.memory_space<hbm>> -> memref<4194304xi32, #tpu.memory_space<hbm>>
      tpu.wait_indirect_dma semaphore(%arg12 : memref<!tpu.dma_semaphore, #tpu.memory_space<semaphore_mem>>) src(%dma_wait3A_175 : memref<4194304xi32, #tpu.memory_space<hbm>>) dst(%dma_wait3A_170 : memref<128xi32, #tpu.memory_space<vmem>>)
      %dma_wait3A_176 = arith.constant 2 : i32
      %dma_wait3A_177 = arith.constant 256 : i32
      %dma_wait3A_178 = tpu.memref_slice %arg8[%dma_wait3A_177] : memref<2048xi32, #tpu.memory_space<vmem>> -> memref<128xi32, #tpu.memory_space<vmem>>
      %dma_wait3A_179 = arith.constant 0 : i32
      %dma_wait3A_180 = tpu.memref_slice %arg7[%dma_wait3A_176, %dma_wait3A_179] : memref<16x128xi32, #tpu.memory_space<vmem>> -> memref<1x128xi32, #tpu.memory_space<vmem>>
      %dma_wait3A_181 = tpu.memref_squeeze %dma_wait3A_180 : memref<1x128xi32, #tpu.memory_space<vmem>> -> memref<128xi32, #tpu.memory_space<vmem>>
      %dma_wait3A_182 = arith.constant 0 : i32
      %dma_wait3A_183 = tpu.memref_slice %arg3[%dma_wait3A_182] : memref<4194304xi32, #tpu.memory_space<hbm>> -> memref<4194304xi32, #tpu.memory_space<hbm>>
      tpu.wait_indirect_dma semaphore(%arg12 : memref<!tpu.dma_semaphore, #tpu.memory_space<semaphore_mem>>) src(%dma_wait3A_183 : memref<4194304xi32, #tpu.memory_space<hbm>>) dst(%dma_wait3A_178 : memref<128xi32, #tpu.memory_space<vmem>>)
      %dma_wait3A_184 = arith.constant 3 : i32
      %dma_wait3A_185 = arith.constant 384 : i32
      %dma_wait3A_186 = tpu.memref_slice %arg8[%dma_wait3A_185] : memref<2048xi32, #tpu.memory_space<vmem>> -> memref<128xi32, #tpu.memory_space<vmem>>
      %dma_wait3A_187 = arith.constant 0 : i32
      %dma_wait3A_188 = tpu.memref_slice %arg7[%dma_wait3A_184, %dma_wait3A_187] : memref<16x128xi32, #tpu.memory_space<vmem>> -> memref<1x128xi32, #tpu.memory_space<vmem>>
      %dma_wait3A_189 = tpu.memref_squeeze %dma_wait3A_188 : memref<1x128xi32, #tpu.memory_space<vmem>> -> memref<128xi32, #tpu.memory_space<vmem>>
      %dma_wait3A_190 = arith.constant 0 : i32
      %dma_wait3A_191 = tpu.memref_slice %arg3[%dma_wait3A_190] : memref<4194304xi32, #tpu.memory_space<hbm>> -> memref<4194304xi32, #tpu.memory_space<hbm>>
      tpu.wait_indirect_dma semaphore(%arg12 : memref<!tpu.dma_semaphore, #tpu.memory_space<semaphore_mem>>) src(%dma_wait3A_191 : memref<4194304xi32, #tpu.memory_space<hbm>>) dst(%dma_wait3A_186 : memref<128xi32, #tpu.memory_space<vmem>>)
      %dma_wait3A_192 = arith.constant 4 : i32
      %dma_wait3A_193 = arith.constant 512 : i32
      %dma_wait3A_194 = tpu.memref_slice %arg8[%dma_wait3A_193] : memref<2048xi32, #tpu.memory_space<vmem>> -> memref<128xi32, #tpu.memory_space<vmem>>
      %dma_wait3A_195 = arith.constant 0 : i32
      %dma_wait3A_196 = tpu.memref_slice %arg7[%dma_wait3A_192, %dma_wait3A_195] : memref<16x128xi32, #tpu.memory_space<vmem>> -> memref<1x128xi32, #tpu.memory_space<vmem>>
      %dma_wait3A_197 = tpu.memref_squeeze %dma_wait3A_196 : memref<1x128xi32, #tpu.memory_space<vmem>> -> memref<128xi32, #tpu.memory_space<vmem>>
      %dma_wait3A_198 = arith.constant 0 : i32
      %dma_wait3A_199 = tpu.memref_slice %arg3[%dma_wait3A_198] : memref<4194304xi32, #tpu.memory_space<hbm>> -> memref<4194304xi32, #tpu.memory_space<hbm>>
      tpu.wait_indirect_dma semaphore(%arg12 : memref<!tpu.dma_semaphore, #tpu.memory_space<semaphore_mem>>) src(%dma_wait3A_199 : memref<4194304xi32, #tpu.memory_space<hbm>>) dst(%dma_wait3A_194 : memref<128xi32, #tpu.memory_space<vmem>>)
      %dma_wait3A_200 = arith.constant 5 : i32
      %dma_wait3A_201 = arith.constant 640 : i32
      %dma_wait3A_202 = tpu.memref_slice %arg8[%dma_wait3A_201] : memref<2048xi32, #tpu.memory_space<vmem>> -> memref<128xi32, #tpu.memory_space<vmem>>
      %dma_wait3A_203 = arith.constant 0 : i32
      %dma_wait3A_204 = tpu.memref_slice %arg7[%dma_wait3A_200, %dma_wait3A_203] : memref<16x128xi32, #tpu.memory_space<vmem>> -> memref<1x128xi32, #tpu.memory_space<vmem>>
      %dma_wait3A_205 = tpu.memref_squeeze %dma_wait3A_204 : memref<1x128xi32, #tpu.memory_space<vmem>> -> memref<128xi32, #tpu.memory_space<vmem>>
      %dma_wait3A_206 = arith.constant 0 : i32
      %dma_wait3A_207 = tpu.memref_slice %arg3[%dma_wait3A_206] : memref<4194304xi32, #tpu.memory_space<hbm>> -> memref<4194304xi32, #tpu.memory_space<hbm>>
      tpu.wait_indirect_dma semaphore(%arg12 : memref<!tpu.dma_semaphore, #tpu.memory_space<semaphore_mem>>) src(%dma_wait3A_207 : memref<4194304xi32, #tpu.memory_space<hbm>>) dst(%dma_wait3A_202 : memref<128xi32, #tpu.memory_space<vmem>>)
      %dma_wait3A_208 = arith.constant 6 : i32
      %dma_wait3A_209 = arith.constant 768 : i32
      %dma_wait3A_210 = tpu.memref_slice %arg8[%dma_wait3A_209] : memref<2048xi32, #tpu.memory_space<vmem>> -> memref<128xi32, #tpu.memory_space<vmem>>
      %dma_wait3A_211 = arith.constant 0 : i32
      %dma_wait3A_212 = tpu.memref_slice %arg7[%dma_wait3A_208, %dma_wait3A_211] : memref<16x128xi32, #tpu.memory_space<vmem>> -> memref<1x128xi32, #tpu.memory_space<vmem>>
      %dma_wait3A_213 = tpu.memref_squeeze %dma_wait3A_212 : memref<1x128xi32, #tpu.memory_space<vmem>> -> memref<128xi32, #tpu.memory_space<vmem>>
      %dma_wait3A_214 = arith.constant 0 : i32
      %dma_wait3A_215 = tpu.memref_slice %arg3[%dma_wait3A_214] : memref<4194304xi32, #tpu.memory_space<hbm>> -> memref<4194304xi32, #tpu.memory_space<hbm>>
      tpu.wait_indirect_dma semaphore(%arg12 : memref<!tpu.dma_semaphore, #tpu.memory_space<semaphore_mem>>) src(%dma_wait3A_215 : memref<4194304xi32, #tpu.memory_space<hbm>>) dst(%dma_wait3A_210 : memref<128xi32, #tpu.memory_space<vmem>>)
      %dma_wait3A_216 = arith.constant 7 : i32
      %dma_wait3A_217 = arith.constant 896 : i32
      %dma_wait3A_218 = tpu.memref_slice %arg8[%dma_wait3A_217] : memref<2048xi32, #tpu.memory_space<vmem>> -> memref<128xi32, #tpu.memory_space<vmem>>
      %dma_wait3A_219 = arith.constant 0 : i32
      %dma_wait3A_220 = tpu.memref_slice %arg7[%dma_wait3A_216, %dma_wait3A_219] : memref<16x128xi32, #tpu.memory_space<vmem>> -> memref<1x128xi32, #tpu.memory_space<vmem>>
      %dma_wait3A_221 = tpu.memref_squeeze %dma_wait3A_220 : memref<1x128xi32, #tpu.memory_space<vmem>> -> memref<128xi32, #tpu.memory_space<vmem>>
      %dma_wait3A_222 = arith.constant 0 : i32
      %dma_wait3A_223 = tpu.memref_slice %arg3[%dma_wait3A_222] : memref<4194304xi32, #tpu.memory_space<hbm>> -> memref<4194304xi32, #tpu.memory_space<hbm>>
      tpu.wait_indirect_dma semaphore(%arg12 : memref<!tpu.dma_semaphore, #tpu.memory_space<semaphore_mem>>) src(%dma_wait3A_223 : memref<4194304xi32, #tpu.memory_space<hbm>>) dst(%dma_wait3A_218 : memref<128xi32, #tpu.memory_space<vmem>>)
      %dma_wait3A_224 = arith.constant 8 : i32
      %dma_wait3A_225 = arith.constant 1024 : i32
      %dma_wait3A_226 = tpu.memref_slice %arg8[%dma_wait3A_225] : memref<2048xi32, #tpu.memory_space<vmem>> -> memref<128xi32, #tpu.memory_space<vmem>>
      %dma_wait3A_227 = arith.constant 0 : i32
      %dma_wait3A_228 = tpu.memref_slice %arg7[%dma_wait3A_224, %dma_wait3A_227] : memref<16x128xi32, #tpu.memory_space<vmem>> -> memref<1x128xi32, #tpu.memory_space<vmem>>
      %dma_wait3A_229 = tpu.memref_squeeze %dma_wait3A_228 : memref<1x128xi32, #tpu.memory_space<vmem>> -> memref<128xi32, #tpu.memory_space<vmem>>
      %dma_wait3A_230 = arith.constant 0 : i32
      %dma_wait3A_231 = tpu.memref_slice %arg3[%dma_wait3A_230] : memref<4194304xi32, #tpu.memory_space<hbm>> -> memref<4194304xi32, #tpu.memory_space<hbm>>
      tpu.wait_indirect_dma semaphore(%arg12 : memref<!tpu.dma_semaphore, #tpu.memory_space<semaphore_mem>>) src(%dma_wait3A_231 : memref<4194304xi32, #tpu.memory_space<hbm>>) dst(%dma_wait3A_226 : memref<128xi32, #tpu.memory_space<vmem>>)
      %dma_wait3A_232 = arith.constant 9 : i32
      %dma_wait3A_233 = arith.constant 1152 : i32
      %dma_wait3A_234 = tpu.memref_slice %arg8[%dma_wait3A_233] : memref<2048xi32, #tpu.memory_space<vmem>> -> memref<128xi32, #tpu.memory_space<vmem>>
      %dma_wait3A_235 = arith.constant 0 : i32
      %dma_wait3A_236 = tpu.memref_slice %arg7[%dma_wait3A_232, %dma_wait3A_235] : memref<16x128xi32, #tpu.memory_space<vmem>> -> memref<1x128xi32, #tpu.memory_space<vmem>>
      %dma_wait3A_237 = tpu.memref_squeeze %dma_wait3A_236 : memref<1x128xi32, #tpu.memory_space<vmem>> -> memref<128xi32, #tpu.memory_space<vmem>>
      %dma_wait3A_238 = arith.constant 0 : i32
      %dma_wait3A_239 = tpu.memref_slice %arg3[%dma_wait3A_238] : memref<4194304xi32, #tpu.memory_space<hbm>> -> memref<4194304xi32, #tpu.memory_space<hbm>>
      tpu.wait_indirect_dma semaphore(%arg12 : memref<!tpu.dma_semaphore, #tpu.memory_space<semaphore_mem>>) src(%dma_wait3A_239 : memref<4194304xi32, #tpu.memory_space<hbm>>) dst(%dma_wait3A_234 : memref<128xi32, #tpu.memory_space<vmem>>)
      %dma_wait3A_240 = arith.constant 10 : i32
      %dma_wait3A_241 = arith.constant 1280 : i32
      %dma_wait3A_242 = tpu.memref_slice %arg8[%dma_wait3A_241] : memref<2048xi32, #tpu.memory_space<vmem>> -> memref<128xi32, #tpu.memory_space<vmem>>
      %dma_wait3A_243 = arith.constant 0 : i32
      %dma_wait3A_244 = tpu.memref_slice %arg7[%dma_wait3A_240, %dma_wait3A_243] : memref<16x128xi32, #tpu.memory_space<vmem>> -> memref<1x128xi32, #tpu.memory_space<vmem>>
      %dma_wait3A_245 = tpu.memref_squeeze %dma_wait3A_244 : memref<1x128xi32, #tpu.memory_space<vmem>> -> memref<128xi32, #tpu.memory_space<vmem>>
      %dma_wait3A_246 = arith.constant 0 : i32
      %dma_wait3A_247 = tpu.memref_slice %arg3[%dma_wait3A_246] : memref<4194304xi32, #tpu.memory_space<hbm>> -> memref<4194304xi32, #tpu.memory_space<hbm>>
      tpu.wait_indirect_dma semaphore(%arg12 : memref<!tpu.dma_semaphore, #tpu.memory_space<semaphore_mem>>) src(%dma_wait3A_247 : memref<4194304xi32, #tpu.memory_space<hbm>>) dst(%dma_wait3A_242 : memref<128xi32, #tpu.memory_space<vmem>>)
      %dma_wait3A_248 = arith.constant 11 : i32
      %dma_wait3A_249 = arith.constant 1408 : i32
      %dma_wait3A_250 = tpu.memref_slice %arg8[%dma_wait3A_249] : memref<2048xi32, #tpu.memory_space<vmem>> -> memref<128xi32, #tpu.memory_space<vmem>>
      %dma_wait3A_251 = arith.constant 0 : i32
      %dma_wait3A_252 = tpu.memref_slice %arg7[%dma_wait3A_248, %dma_wait3A_251] : memref<16x128xi32, #tpu.memory_space<vmem>> -> memref<1x128xi32, #tpu.memory_space<vmem>>
      %dma_wait3A_253 = tpu.memref_squeeze %dma_wait3A_252 : memref<1x128xi32, #tpu.memory_space<vmem>> -> memref<128xi32, #tpu.memory_space<vmem>>
      %dma_wait3A_254 = arith.constant 0 : i32
      %dma_wait3A_255 = tpu.memref_slice %arg3[%dma_wait3A_254] : memref<4194304xi32, #tpu.memory_space<hbm>> -> memref<4194304xi32, #tpu.memory_space<hbm>>
      tpu.wait_indirect_dma semaphore(%arg12 : memref<!tpu.dma_semaphore, #tpu.memory_space<semaphore_mem>>) src(%dma_wait3A_255 : memref<4194304xi32, #tpu.memory_space<hbm>>) dst(%dma_wait3A_250 : memref<128xi32, #tpu.memory_space<vmem>>)
      %dma_wait3A_256 = arith.constant 12 : i32
      %dma_wait3A_257 = arith.constant 1536 : i32
      %dma_wait3A_258 = tpu.memref_slice %arg8[%dma_wait3A_257] : memref<2048xi32, #tpu.memory_space<vmem>> -> memref<128xi32, #tpu.memory_space<vmem>>
      %dma_wait3A_259 = arith.constant 0 : i32
      %dma_wait3A_260 = tpu.memref_slice %arg7[%dma_wait3A_256, %dma_wait3A_259] : memref<16x128xi32, #tpu.memory_space<vmem>> -> memref<1x128xi32, #tpu.memory_space<vmem>>
      %dma_wait3A_261 = tpu.memref_squeeze %dma_wait3A_260 : memref<1x128xi32, #tpu.memory_space<vmem>> -> memref<128xi32, #tpu.memory_space<vmem>>
      %dma_wait3A_262 = arith.constant 0 : i32
      %dma_wait3A_263 = tpu.memref_slice %arg3[%dma_wait3A_262] : memref<4194304xi32, #tpu.memory_space<hbm>> -> memref<4194304xi32, #tpu.memory_space<hbm>>
      tpu.wait_indirect_dma semaphore(%arg12 : memref<!tpu.dma_semaphore, #tpu.memory_space<semaphore_mem>>) src(%dma_wait3A_263 : memref<4194304xi32, #tpu.memory_space<hbm>>) dst(%dma_wait3A_258 : memref<128xi32, #tpu.memory_space<vmem>>)
      %dma_wait3A_264 = arith.constant 13 : i32
      %dma_wait3A_265 = arith.constant 1664 : i32
      %dma_wait3A_266 = tpu.memref_slice %arg8[%dma_wait3A_265] : memref<2048xi32, #tpu.memory_space<vmem>> -> memref<128xi32, #tpu.memory_space<vmem>>
      %dma_wait3A_267 = arith.constant 0 : i32
      %dma_wait3A_268 = tpu.memref_slice %arg7[%dma_wait3A_264, %dma_wait3A_267] : memref<16x128xi32, #tpu.memory_space<vmem>> -> memref<1x128xi32, #tpu.memory_space<vmem>>
      %dma_wait3A_269 = tpu.memref_squeeze %dma_wait3A_268 : memref<1x128xi32, #tpu.memory_space<vmem>> -> memref<128xi32, #tpu.memory_space<vmem>>
      %dma_wait3A_270 = arith.constant 0 : i32
      %dma_wait3A_271 = tpu.memref_slice %arg3[%dma_wait3A_270] : memref<4194304xi32, #tpu.memory_space<hbm>> -> memref<4194304xi32, #tpu.memory_space<hbm>>
      tpu.wait_indirect_dma semaphore(%arg12 : memref<!tpu.dma_semaphore, #tpu.memory_space<semaphore_mem>>) src(%dma_wait3A_271 : memref<4194304xi32, #tpu.memory_space<hbm>>) dst(%dma_wait3A_266 : memref<128xi32, #tpu.memory_space<vmem>>)
      %dma_wait3A_272 = arith.constant 14 : i32
      %dma_wait3A_273 = arith.constant 1792 : i32
      %dma_wait3A_274 = tpu.memref_slice %arg8[%dma_wait3A_273] : memref<2048xi32, #tpu.memory_space<vmem>> -> memref<128xi32, #tpu.memory_space<vmem>>
      %dma_wait3A_275 = arith.constant 0 : i32
      %dma_wait3A_276 = tpu.memref_slice %arg7[%dma_wait3A_272, %dma_wait3A_275] : memref<16x128xi32, #tpu.memory_space<vmem>> -> memref<1x128xi32, #tpu.memory_space<vmem>>
      %dma_wait3A_277 = tpu.memref_squeeze %dma_wait3A_276 : memref<1x128xi32, #tpu.memory_space<vmem>> -> memref<128xi32, #tpu.memory_space<vmem>>
      %dma_wait3A_278 = arith.constant 0 : i32
      %dma_wait3A_279 = tpu.memref_slice %arg3[%dma_wait3A_278] : memref<4194304xi32, #tpu.memory_space<hbm>> -> memref<4194304xi32, #tpu.memory_space<hbm>>
      tpu.wait_indirect_dma semaphore(%arg12 : memref<!tpu.dma_semaphore, #tpu.memory_space<semaphore_mem>>) src(%dma_wait3A_279 : memref<4194304xi32, #tpu.memory_space<hbm>>) dst(%dma_wait3A_274 : memref<128xi32, #tpu.memory_space<vmem>>)
      %dma_wait3A_280 = arith.constant 15 : i32
      %dma_wait3A_281 = arith.constant 1920 : i32
      %dma_wait3A_282 = tpu.memref_slice %arg8[%dma_wait3A_281] : memref<2048xi32, #tpu.memory_space<vmem>> -> memref<128xi32, #tpu.memory_space<vmem>>
      %dma_wait3A_283 = arith.constant 0 : i32
      %dma_wait3A_284 = tpu.memref_slice %arg7[%dma_wait3A_280, %dma_wait3A_283] : memref<16x128xi32, #tpu.memory_space<vmem>> -> memref<1x128xi32, #tpu.memory_space<vmem>>
      %dma_wait3A_285 = tpu.memref_squeeze %dma_wait3A_284 : memref<1x128xi32, #tpu.memory_space<vmem>> -> memref<128xi32, #tpu.memory_space<vmem>>
      %dma_wait3A_286 = arith.constant 0 : i32
      %dma_wait3A_287 = tpu.memref_slice %arg3[%dma_wait3A_286] : memref<4194304xi32, #tpu.memory_space<hbm>> -> memref<4194304xi32, #tpu.memory_space<hbm>>
      tpu.wait_indirect_dma semaphore(%arg12 : memref<!tpu.dma_semaphore, #tpu.memory_space<semaphore_mem>>) src(%dma_wait3A_287 : memref<4194304xi32, #tpu.memory_space<hbm>>) dst(%dma_wait3A_282 : memref<128xi32, #tpu.memory_space<vmem>>)
      %scan3A_288 = arith.constant 0 : i32
      %scan3A_289 = arith.constant 0 : i32
      %scan3A_290 = arith.constant 16 : i32
      %scan3A_291 = arith.addi %scan3A_289, %scan3A_290 : i32
      %scan3A_292 = arith.constant 1 : i32
      %scan3A_293 = scf.for %scan3A_316 = %scan3A_289 to %scan3A_291 step %scan3A_292 iter_args(%scan3A_317 = %scan3A_288) -> (i32)  : i32 {
        %mul3A_318 = arith.constant 128 : i32
        %mul3A_319 = arith.muli %scan3A_316, %mul3A_318 : i32
        %add3A_320 = arith.constant 0 : i32
        %add3A_321 = arith.addi %mul3A_319, %add3A_320 : i32
        %add3A_322 = arith.constant 0 : i32
        %add3A_323 = arith.addi %add3A_321, %add3A_322 : i32
        %mul3A_324 = arith.constant 4 : i32
        %mul3A_325 = vector.broadcast %mul3A_324 : i32 to vector<16xi32>
        %mul3A_326 = arith.muli %iota3A, %mul3A_325 : vector<16xi32>
        %add3A_327 = vector.broadcast %add3A_323 : i32 to vector<16xi32>
        %add3A_328 = arith.addi %add3A_327, %mul3A_326 : vector<16xi32>
        %gather3A = tpu.vector_load_idx %arg8[%add3A_328] : memref<2048xi32, #tpu.memory_space<vmem>>[vector<16xi32>], vector<16xi32>,
        %gather3A_329 = tpu.vector_load_idx %arg9[%add3A_328] : memref<2048xi32, #tpu.memory_space<vmem>>[vector<16xi32>], vector<16xi32>,
        %and3A_330 = arith.constant 31 : i32
        %and3A_331 = vector.broadcast %and3A_330 : i32 to vector<16xi32>
        %and3A_332 = arith.andi %gather3A_329, %and3A_331 : vector<16xi32>
        %shift_right_arithmetic3A = arith.shrsi %gather3A, %and3A_332 : vector<16xi32>
        %shift_right_arithmetic3A_333 = arith.constant 5 : i32
        %shift_right_arithmetic3A_334 = vector.broadcast %shift_right_arithmetic3A_333 : i32 to vector<16xi32>
        %shift_right_arithmetic3A_335 = arith.shrsi %gather3A_329, %shift_right_arithmetic3A_334 : vector<16xi32>
        %and3A_336 = arith.andi %shift_right_arithmetic3A, %shift_right_arithmetic3A_335 : vector<16xi32>
        %add3A_337 = arith.constant 1 : i32
        %add3A_338 = arith.addi %add3A_321, %add3A_337 : i32
        %mul3A_339 = arith.constant 4 : i32
        %mul3A_340 = vector.broadcast %mul3A_339 : i32 to vector<16xi32>
        %mul3A_341 = arith.muli %iota3A, %mul3A_340 : vector<16xi32>
        %add3A_342 = vector.broadcast %add3A_338 : i32 to vector<16xi32>
        %add3A_343 = arith.addi %add3A_342, %mul3A_341 : vector<16xi32>
        %gather3A_344 = tpu.vector_load_idx %arg8[%add3A_343] : memref<2048xi32, #tpu.memory_space<vmem>>[vector<16xi32>], vector<16xi32>,
        %gather3A_345 = tpu.vector_load_idx %arg9[%add3A_343] : memref<2048xi32, #tpu.memory_space<vmem>>[vector<16xi32>], vector<16xi32>,
        %and3A_346 = arith.constant 31 : i32
        %and3A_347 = vector.broadcast %and3A_346 : i32 to vector<16xi32>
        %and3A_348 = arith.andi %gather3A_345, %and3A_347 : vector<16xi32>
        %shift_right_arithmetic3A_349 = arith.shrsi %gather3A_344, %and3A_348 : vector<16xi32>
        %shift_right_arithmetic3A_350 = arith.constant 5 : i32
        %shift_right_arithmetic3A_351 = vector.broadcast %shift_right_arithmetic3A_350 : i32 to vector<16xi32>
        %shift_right_arithmetic3A_352 = arith.shrsi %gather3A_345, %shift_right_arithmetic3A_351 : vector<16xi32>
        %and3A_353 = arith.andi %shift_right_arithmetic3A_349, %shift_right_arithmetic3A_352 : vector<16xi32>
        %add3A_354 = arith.constant 2 : i32
        %add3A_355 = arith.addi %add3A_321, %add3A_354 : i32
        %mul3A_356 = arith.constant 4 : i32
        %mul3A_357 = vector.broadcast %mul3A_356 : i32 to vector<16xi32>
        %mul3A_358 = arith.muli %iota3A, %mul3A_357 : vector<16xi32>
        %add3A_359 = vector.broadcast %add3A_355 : i32 to vector<16xi32>
        %add3A_360 = arith.addi %add3A_359, %mul3A_358 : vector<16xi32>
        %gather3A_361 = tpu.vector_load_idx %arg8[%add3A_360] : memref<2048xi32, #tpu.memory_space<vmem>>[vector<16xi32>], vector<16xi32>,
        %gather3A_362 = tpu.vector_load_idx %arg9[%add3A_360] : memref<2048xi32, #tpu.memory_space<vmem>>[vector<16xi32>], vector<16xi32>,
        %and3A_363 = arith.constant 31 : i32
        %and3A_364 = vector.broadcast %and3A_363 : i32 to vector<16xi32>
        %and3A_365 = arith.andi %gather3A_362, %and3A_364 : vector<16xi32>
        %shift_right_arithmetic3A_366 = arith.shrsi %gather3A_361, %and3A_365 : vector<16xi32>
        %shift_right_arithmetic3A_367 = arith.constant 5 : i32
        %shift_right_arithmetic3A_368 = vector.broadcast %shift_right_arithmetic3A_367 : i32 to vector<16xi32>
        %shift_right_arithmetic3A_369 = arith.shrsi %gather3A_362, %shift_right_arithmetic3A_368 : vector<16xi32>
        %and3A_370 = arith.andi %shift_right_arithmetic3A_366, %shift_right_arithmetic3A_369 : vector<16xi32>
        %add3A_371 = arith.constant 3 : i32
        %add3A_372 = arith.addi %add3A_321, %add3A_371 : i32
        %mul3A_373 = arith.constant 4 : i32
        %mul3A_374 = vector.broadcast %mul3A_373 : i32 to vector<16xi32>
        %mul3A_375 = arith.muli %iota3A, %mul3A_374 : vector<16xi32>
        %add3A_376 = vector.broadcast %add3A_372 : i32 to vector<16xi32>
        %add3A_377 = arith.addi %add3A_376, %mul3A_375 : vector<16xi32>
        %gather3A_378 = tpu.vector_load_idx %arg8[%add3A_377] : memref<2048xi32, #tpu.memory_space<vmem>>[vector<16xi32>], vector<16xi32>,
        %gather3A_379 = tpu.vector_load_idx %arg9[%add3A_377] : memref<2048xi32, #tpu.memory_space<vmem>>[vector<16xi32>], vector<16xi32>,
        %and3A_380 = arith.constant 31 : i32
        %and3A_381 = vector.broadcast %and3A_380 : i32 to vector<16xi32>
        %and3A_382 = arith.andi %gather3A_379, %and3A_381 : vector<16xi32>
        %shift_right_arithmetic3A_383 = arith.shrsi %gather3A_378, %and3A_382 : vector<16xi32>
        %shift_right_arithmetic3A_384 = arith.constant 5 : i32
        %shift_right_arithmetic3A_385 = vector.broadcast %shift_right_arithmetic3A_384 : i32 to vector<16xi32>
        %shift_right_arithmetic3A_386 = arith.shrsi %gather3A_379, %shift_right_arithmetic3A_385 : vector<16xi32>
        %and3A_387 = arith.andi %shift_right_arithmetic3A_383, %shift_right_arithmetic3A_386 : vector<16xi32>
        %shift_left3A = arith.constant 8 : i32
        %shift_left3A_388 = vector.broadcast %shift_left3A : i32 to vector<16xi32>
        %shift_left3A_389 = arith.shli %and3A_353, %shift_left3A_388 : vector<16xi32>
        %or3A = arith.ori %and3A_336, %shift_left3A_389 : vector<16xi32>
        %shift_left3A_390 = arith.constant 16 : i32
        %shift_left3A_391 = vector.broadcast %shift_left3A_390 : i32 to vector<16xi32>
        %shift_left3A_392 = arith.shli %and3A_370, %shift_left3A_391 : vector<16xi32>
        %or3A_393 = arith.ori %or3A, %shift_left3A_392 : vector<16xi32>
        %shift_left3A_394 = arith.constant 24 : i32
        %shift_left3A_395 = vector.broadcast %shift_left3A_394 : i32 to vector<16xi32>
        %shift_left3A_396 = arith.shli %and3A_387, %shift_left3A_395 : vector<16xi32>
        %or3A_397 = arith.ori %or3A_393, %shift_left3A_396 : vector<16xi32>
        %shift_right_arithmetic3A_398 = arith.constant 2 : i32
        %shift_right_arithmetic3A_399 = arith.shrsi %add3A_321, %shift_right_arithmetic3A_398 : i32
        %swap3A = arith.index_cast %shift_right_arithmetic3A_399 : i32 to index
        %swap3A_400 = tpu.vector_load %arg10[%swap3A] {strides = array<i32>} : memref<512xi32, #tpu.memory_space<vmem>>, vector<16xi32>,
        tpu.vector_store %arg10[%swap3A], %or3A_397 {strides = array<i32>} : memref<512xi32, #tpu.memory_space<vmem>>, vector<16xi32>,
        %mul3A_401 = arith.constant 128 : i32
        %mul3A_402 = arith.muli %scan3A_316, %mul3A_401 : i32
        %add3A_403 = arith.constant 64 : i32
        %add3A_404 = arith.addi %mul3A_402, %add3A_403 : i32
        %add3A_405 = arith.constant 0 : i32
        %add3A_406 = arith.addi %add3A_404, %add3A_405 : i32
        %mul3A_407 = arith.constant 4 : i32
        %mul3A_408 = vector.broadcast %mul3A_407 : i32 to vector<16xi32>
        %mul3A_409 = arith.muli %iota3A, %mul3A_408 : vector<16xi32>
        %add3A_410 = vector.broadcast %add3A_406 : i32 to vector<16xi32>
        %add3A_411 = arith.addi %add3A_410, %mul3A_409 : vector<16xi32>
        %gather3A_412 = tpu.vector_load_idx %arg8[%add3A_411] : memref<2048xi32, #tpu.memory_space<vmem>>[vector<16xi32>], vector<16xi32>,
        %gather3A_413 = tpu.vector_load_idx %arg9[%add3A_411] : memref<2048xi32, #tpu.memory_space<vmem>>[vector<16xi32>], vector<16xi32>,
        %and3A_414 = arith.constant 31 : i32
        %and3A_415 = vector.broadcast %and3A_414 : i32 to vector<16xi32>
        %and3A_416 = arith.andi %gather3A_413, %and3A_415 : vector<16xi32>
        %shift_right_arithmetic3A_417 = arith.shrsi %gather3A_412, %and3A_416 : vector<16xi32>
        %shift_right_arithmetic3A_418 = arith.constant 5 : i32
        %shift_right_arithmetic3A_419 = vector.broadcast %shift_right_arithmetic3A_418 : i32 to vector<16xi32>
        %shift_right_arithmetic3A_420 = arith.shrsi %gather3A_413, %shift_right_arithmetic3A_419 : vector<16xi32>
        %and3A_421 = arith.andi %shift_right_arithmetic3A_417, %shift_right_arithmetic3A_420 : vector<16xi32>
        %add3A_422 = arith.constant 1 : i32
        %add3A_423 = arith.addi %add3A_404, %add3A_422 : i32
        %mul3A_424 = arith.constant 4 : i32
        %mul3A_425 = vector.broadcast %mul3A_424 : i32 to vector<16xi32>
        %mul3A_426 = arith.muli %iota3A, %mul3A_425 : vector<16xi32>
        %add3A_427 = vector.broadcast %add3A_423 : i32 to vector<16xi32>
        %add3A_428 = arith.addi %add3A_427, %mul3A_426 : vector<16xi32>
        %gather3A_429 = tpu.vector_load_idx %arg8[%add3A_428] : memref<2048xi32, #tpu.memory_space<vmem>>[vector<16xi32>], vector<16xi32>,
        %gather3A_430 = tpu.vector_load_idx %arg9[%add3A_428] : memref<2048xi32, #tpu.memory_space<vmem>>[vector<16xi32>], vector<16xi32>,
        %and3A_431 = arith.constant 31 : i32
        %and3A_432 = vector.broadcast %and3A_431 : i32 to vector<16xi32>
        %and3A_433 = arith.andi %gather3A_430, %and3A_432 : vector<16xi32>
        %shift_right_arithmetic3A_434 = arith.shrsi %gather3A_429, %and3A_433 : vector<16xi32>
        %shift_right_arithmetic3A_435 = arith.constant 5 : i32
        %shift_right_arithmetic3A_436 = vector.broadcast %shift_right_arithmetic3A_435 : i32 to vector<16xi32>
        %shift_right_arithmetic3A_437 = arith.shrsi %gather3A_430, %shift_right_arithmetic3A_436 : vector<16xi32>
        %and3A_438 = arith.andi %shift_right_arithmetic3A_434, %shift_right_arithmetic3A_437 : vector<16xi32>
        %add3A_439 = arith.constant 2 : i32
        %add3A_440 = arith.addi %add3A_404, %add3A_439 : i32
        %mul3A_441 = arith.constant 4 : i32
        %mul3A_442 = vector.broadcast %mul3A_441 : i32 to vector<16xi32>
        %mul3A_443 = arith.muli %iota3A, %mul3A_442 : vector<16xi32>
        %add3A_444 = vector.broadcast %add3A_440 : i32 to vector<16xi32>
        %add3A_445 = arith.addi %add3A_444, %mul3A_443 : vector<16xi32>
        %gather3A_446 = tpu.vector_load_idx %arg8[%add3A_445] : memref<2048xi32, #tpu.memory_space<vmem>>[vector<16xi32>], vector<16xi32>,
        %gather3A_447 = tpu.vector_load_idx %arg9[%add3A_445] : memref<2048xi32, #tpu.memory_space<vmem>>[vector<16xi32>], vector<16xi32>,
        %and3A_448 = arith.constant 31 : i32
        %and3A_449 = vector.broadcast %and3A_448 : i32 to vector<16xi32>
        %and3A_450 = arith.andi %gather3A_447, %and3A_449 : vector<16xi32>
        %shift_right_arithmetic3A_451 = arith.shrsi %gather3A_446, %and3A_450 : vector<16xi32>
        %shift_right_arithmetic3A_452 = arith.constant 5 : i32
        %shift_right_arithmetic3A_453 = vector.broadcast %shift_right_arithmetic3A_452 : i32 to vector<16xi32>
        %shift_right_arithmetic3A_454 = arith.shrsi %gather3A_447, %shift_right_arithmetic3A_453 : vector<16xi32>
        %and3A_455 = arith.andi %shift_right_arithmetic3A_451, %shift_right_arithmetic3A_454 : vector<16xi32>
        %add3A_456 = arith.constant 3 : i32
        %add3A_457 = arith.addi %add3A_404, %add3A_456 : i32
        %mul3A_458 = arith.constant 4 : i32
        %mul3A_459 = vector.broadcast %mul3A_458 : i32 to vector<16xi32>
        %mul3A_460 = arith.muli %iota3A, %mul3A_459 : vector<16xi32>
        %add3A_461 = vector.broadcast %add3A_457 : i32 to vector<16xi32>
        %add3A_462 = arith.addi %add3A_461, %mul3A_460 : vector<16xi32>
        %gather3A_463 = tpu.vector_load_idx %arg8[%add3A_462] : memref<2048xi32, #tpu.memory_space<vmem>>[vector<16xi32>], vector<16xi32>,
        %gather3A_464 = tpu.vector_load_idx %arg9[%add3A_462] : memref<2048xi32, #tpu.memory_space<vmem>>[vector<16xi32>], vector<16xi32>,
        %and3A_465 = arith.constant 31 : i32
        %and3A_466 = vector.broadcast %and3A_465 : i32 to vector<16xi32>
        %and3A_467 = arith.andi %gather3A_464, %and3A_466 : vector<16xi32>
        %shift_right_arithmetic3A_468 = arith.shrsi %gather3A_463, %and3A_467 : vector<16xi32>
        %shift_right_arithmetic3A_469 = arith.constant 5 : i32
        %shift_right_arithmetic3A_470 = vector.broadcast %shift_right_arithmetic3A_469 : i32 to vector<16xi32>
        %shift_right_arithmetic3A_471 = arith.shrsi %gather3A_464, %shift_right_arithmetic3A_470 : vector<16xi32>
        %and3A_472 = arith.andi %shift_right_arithmetic3A_468, %shift_right_arithmetic3A_471 : vector<16xi32>
        %shift_left3A_473 = arith.constant 8 : i32
        %shift_left3A_474 = vector.broadcast %shift_left3A_473 : i32 to vector<16xi32>
        %shift_left3A_475 = arith.shli %and3A_438, %shift_left3A_474 : vector<16xi32>
        %or3A_476 = arith.ori %and3A_421, %shift_left3A_475 : vector<16xi32>
        %shift_left3A_477 = arith.constant 16 : i32
        %shift_left3A_478 = vector.broadcast %shift_left3A_477 : i32 to vector<16xi32>
        %shift_left3A_479 = arith.shli %and3A_455, %shift_left3A_478 : vector<16xi32>
        %or3A_480 = arith.ori %or3A_476, %shift_left3A_479 : vector<16xi32>
        %shift_left3A_481 = arith.constant 24 : i32
        %shift_left3A_482 = vector.broadcast %shift_left3A_481 : i32 to vector<16xi32>
        %shift_left3A_483 = arith.shli %and3A_472, %shift_left3A_482 : vector<16xi32>
        %or3A_484 = arith.ori %or3A_480, %shift_left3A_483 : vector<16xi32>
        %shift_right_arithmetic3A_485 = arith.constant 2 : i32
        %shift_right_arithmetic3A_486 = arith.shrsi %add3A_404, %shift_right_arithmetic3A_485 : i32
        %swap3A_487 = arith.index_cast %shift_right_arithmetic3A_486 : i32 to index
        %swap3A_488 = tpu.vector_load %arg10[%swap3A_487] {strides = array<i32>} : memref<512xi32, #tpu.memory_space<vmem>>, vector<16xi32>,
        tpu.vector_store %arg10[%swap3A_487], %or3A_484 {strides = array<i32>} : memref<512xi32, #tpu.memory_space<vmem>>, vector<16xi32>,
        %scan3A_489 = arith.constant 0 : i32
        scf.yield %scan3A_489 : i32
      }
      %scan3A_294 = arith.constant 16 : i32
      %jit3A = arith.constant 4 : i32
      %div3A = arith.divsi %mul3A_13, %jit3A : i32
      %sign3A = arith.constant 0 : i32
      %sign3A_295 = arith.cmpi sgt, %mul3A_13, %sign3A : i32
      %sign3A_296 = arith.extui %sign3A_295 : i1 to i32
      %sign3A_297 = arith.constant 0 : i32
      %sign3A_298 = arith.cmpi slt, %mul3A_13, %sign3A_297 : i32
      %sign3A_299 = arith.extui %sign3A_298 : i1 to i32
      %sign3A_300 = arith.subi %sign3A_296, %sign3A_299 : i32
      %sign3A_301 = arith.constant 0 : i32
      %sign3A_302 = arith.cmpi sgt, %jit3A, %sign3A_301 : i32
      %sign3A_303 = arith.extui %sign3A_302 : i1 to i32
      %sign3A_304 = arith.constant 0 : i32
      %sign3A_305 = arith.cmpi slt, %jit3A, %sign3A_304 : i32
      %sign3A_306 = arith.extui %sign3A_305 : i1 to i32
      %sign3A_307 = arith.subi %sign3A_303, %sign3A_306 : i32
      %ne3A = arith.cmpi ne, %sign3A_300, %sign3A_307 : i32
      %rem3A = arith.remsi %mul3A_13, %jit3A : i32
      %ne3A_308 = arith.constant 0 : i32
      %ne3A_309 = arith.cmpi ne, %rem3A, %ne3A_308 : i32
      %and3A = arith.andi %ne3A, %ne3A_309 : i1
      %sub3A = arith.constant 1 : i32
      %sub3A_310 = arith.subi %div3A, %sub3A : i32
      %select_n3A = arith.select %and3A, %sub3A_310, %div3A : i32
      %mul3A_311 = arith.constant 512 : i32
      %mul3A_312 = arith.muli %scan3A_20, %mul3A_311 : i32
      %add3A_313 = arith.addi %select_n3A, %mul3A_312 : i32
      %multiple_of3A_314 = tpu.assume_multiple %add3A_313, 8 : i32
      "tpu.region"() ({
        %run_scoped3A = tpu.sem_alloc : memref<!tpu.dma_semaphore, #tpu.memory_space<semaphore_mem>>
        %dma_start3A_316 = tpu.memref_slice %arg5[%multiple_of3A_314] : memref<1048576xi32, #tpu.memory_space<hbm>> -> memref<512xi32, #tpu.memory_space<hbm>>
        %dma_start3A_317 = tpu.memref_slice %arg5[%multiple_of3A_314] : memref<1048576xi32, #tpu.memory_space<hbm>> -> memref<512xi32, #tpu.memory_space<hbm>>
        tpu.enqueue_dma source(%arg10 : memref<512xi32, #tpu.memory_space<vmem>>) target(%dma_start3A_317 : memref<512xi32, #tpu.memory_space<hbm>>) target_semaphore(%run_scoped3A : memref<!tpu.dma_semaphore, #tpu.memory_space<semaphore_mem>>)
        %dma_wait3A_318 = tpu.memref_slice %arg5[%multiple_of3A_314] : memref<1048576xi32, #tpu.memory_space<hbm>> -> memref<512xi32, #tpu.memory_space<hbm>>
        %dma_wait3A_319 = tpu.memref_slice %arg5[%multiple_of3A_314] : memref<1048576xi32, #tpu.memory_space<hbm>> -> memref<512xi32, #tpu.memory_space<hbm>>
        tpu.wait_dma2 semaphore(%run_scoped3A : memref<!tpu.dma_semaphore, #tpu.memory_space<semaphore_mem>>) src(%arg10 : memref<512xi32, #tpu.memory_space<vmem>>) dst(%dma_wait3A_319 : memref<512xi32, #tpu.memory_space<hbm>>)
        tpu.yield
      }) : () -> ()
      %scan3A_315 = arith.constant 0 : i32
      scf.yield %scan3A_315 : i32
    }
    %scan3A_19 = arith.constant 64 : i32
    return
  }
}

</mosaic_0001>

<sc_bundles>
// kernel: kernel.3.cloned.1.call-start
scs
__scs_entry_jumppad:
0x0: {  	(pc) =	sbr.rel $0x88, $3  }
0x1: {  	(tag) =	ssettag $0x0;
	lr =	simm.s32 $0x1  }
0x2: {  	[smem:$0x3F9D] =	sst lr;
	_ =	strace $0xD0000000  }
0x3: {  	_ = 	snop  }
0x4: {  	_ = 	snop  }
0x5: {  	_ = 	snop  }
0x6: {  	_ = 	snop  }
0x7: {  	_ = 	snop  }
__scs_overlays_trampoline_lowered:
0x8: {  	[smem:$0x3FAC] =	sst s0  }
0x9: {  	[smem:$0x3FAD] =	sst s1  }
0xa: {  	[smem:$0x3FAE] =	sst s2  }
0xb: {  	[smem:$0x3FAF] =	sst s3  }
0xc: {  	[smem:$0x3FB0] =	sst s4  }
0xd: {  	[smem:$0x3FB1] =	sst s5  }
0xe: {  	[smem:$0x3FB2] =	sst s6  }
0xf: {  	[smem:$0x3FB3] =	sst s7  }
0x10: {  	[smem:$0x3FB4] =	sst s8  }
0x11: {  	[smem:$0x3FB5] =	sst s9;
	s0 =	simm.s32 @!p0 $0x0  }
0x12: {  	s1 =	sld [smem:$0x3F9B];
	s0 =	simm.s32 @p0 $0x1  }
0x13: {  	[smem:$0x3FB6] =	sst s0;
	s0 =	simm.s32 @!p1 $0x0  }
0x14: {  	s2 =	sld [smem:$0x3F9A];
	s0 =	simm.s32 @p1 $0x1  }
0x15: {  	[smem:$0x3FB7] =	sst s0;
	s0 =	simm.s32 @!p2 $0x0  }
0x16: {  	s3 =	sld [smem:$0x3FDB];
	s0 =	simm.s32 @p2 $0x1  }
0x17: {  	s4 =	simm.s32 $0x1BF5;
	[smem:$0x3FB9] =	sst s0  }
0x18: {  	s0 =	sld [smem:$0x3F9C];
	_ =	swait.ge [sflag:s4], $0x0  }
0x19: {  	s7 =	sld [smem:$0x3F9D]  }
0x1a: {  	s8 =	sadd.s32 $0xFFFFE003, lr  }
0x1b: {  	s9 =	sadd.s32 $0xFFFFFEF7, lr;
	s5 =	simm.s32 $0xFFFFFFFF;
	p2 =	slt.u32 s8, $0xFFFFF086  }
0x1c: {  	p1 =	slt.u32 s9, $0xF7A;
	s5 =	simm.s32 @!p2 $0x0  }
0x1d: {  	s5 =	simm.s32 @p1 $0x1;
	p0 =	seq.s32 s7, s2  }
0x1e: {  	s7 =	smul.u32 @!p0 $0xF7A, s2;
	p2 =	seq.s32 @!p0 s5, $0x0  }
0x1f: {  	s9 =	smul.u32 $0xF7A, s1;
	s8 =	simm.s32 @!p0 $0x1BF5;
	p2 =	por !p2, p0  }
0x20: {  	[sflag:s8] =	ssyncset.s32 @!p0 $0xFFFFF086;
	s6 =	sadd.s32 @!p0 s3, s7;
	s7 =	simm.s32 @!p0 $0x108  }
0x21: {  	s3 =	sadd.s32 s3, s9;
	s6 =	sadd.s32 @!p0 $0x88, s6;
	s7 =	simm.s32 @p2 $0x1082  }
0x22: {  	[simem:s7], [sflag:s8] =	dma.local @!p0 [hbm:s6], $0xF7A  }
0x23: {  	s9 =	sor.u32 $0xD0000000, s2;
	s6 =	simm.s32 $0x108;
	_ =	swait.ge @!p0 [sflag:s8], $0x0  }
0x24: {  	s3 =	sadd.s32 $0x88, s3;
	s6 =	simm.s32 @!p1 $0x1082;
	[sflag:s4] =	ssyncset.s32 $0xFFFFF086  }
0x25: {  	[simem:s6], [sflag:s4] =	dma.local [hbm:s3], $0xF7A  }
0x26: {  	[smem:$0x3F9D] =	sst s1;
	(tag) =	ssettag s2;
	_ =	strace s9  }
0x27: {  	s1 =	sld [smem:$0x3FAD]  }
0x28: {  	s2 =	sld [smem:$0x3FAE]  }
0x29: {  	s4 =	sld [smem:$0x3FB0]  }
0x2a: {  	p0 =	seq.s32 s5, $0x0;
	s5 =	sld [smem:$0x3FB1]  }
0x2b: {  	s6 =	sld [smem:$0x3FB2]  }
0x2c: {  	s7 =	sld [smem:$0x3FB3]  }
0x2d: {  	s3 =	simm.s32 $0x108;
	s8 =	sld [smem:$0x3FB4]  }
0x2e: {  	s3 =	simm.s32 @!p0 $0x1082;
	s9 =	sld [smem:$0x3FB5]  }
0x2f: {  	lr =	sadd.s32 s0, s3;
	s0 =	sld [smem:$0x3FAC]  }
0x30: {  	s3 =	sld [smem:$0x3FAF]  }
0x31: {  	[smem:$0x3FB8] =	sst s10  }
0x32: {  	s10 =	sld [smem:$0x3FB6];
	_ =	sdelay $0x3  }
0x33: {  	p0 =	seq.s32 s10, $0x1;
	s10 =	sld [smem:$0x3FB8];
	_ =	sdelay $0x3  }
0x34: {  	[smem:$0x3FB8] =	sst s10  }
0x35: {  	s10 =	sld [smem:$0x3FB7];
	_ =	sdelay $0x3  }
0x36: {  	p1 =	seq.s32 s10, $0x1;
	s10 =	sld [smem:$0x3FB8];
	_ =	sdelay $0x3  }
0x37: {  	[smem:$0x3FB8] =	sst s10  }
0x38: {  	s10 =	sld [smem:$0x3FB9]  }
0x39: {  	_ = 	snop;
	(pc) =	sbr.ind lr, $3  }
0x3a: {  	_ = 	snop  }
0x3b: {  	_ = 	snop  }
0x3c: {  	p2 =	seq.s32 s10, $0x1;
	s10 =	sld [smem:$0x3FB8]  }
0x3d: {  	_ =	shalt  }
0x3e: {  	_ =	shalt  }
0x3f: {  	_ =	shalt  }
0x40: {  	_ =	shalt  }
0x41: {  	_ =	shalt  }
0x42: {  	_ =	shalt  }
0x43: {  	_ =	shalt  }
0x44: {  	_ =	shalt  }
0x45: {  	_ =	shalt  }
0x46: {  	_ =	shalt  }
0x47: {  	_ =	shalt  }
0x48: {  	_ =	shalt  }
0x49: {  	_ =	shalt  }
0x4a: {  	_ =	shalt  }
0x4b: {  	_ =	shalt  }
0x4c: {  	_ =	shalt  }
0x4d: {  	_ =	shalt  }
0x4e: {  	_ =	shalt  }
0x4f: {  	_ =	shalt  }
0x50: {  	_ =	shalt  }
0x51: {  	_ =	shalt  }
0x52: {  	_ =	shalt  }
0x53: {  	_ =	shalt  }
0x54: {  	_ =	shalt  }
0x55: {  	_ =	shalt  }
0x56: {  	_ =	shalt  }
0x57: {  	_ =	shalt  }
0x58: {  	_ =	shalt  }
0x59: {  	_ =	shalt  }
0x5a: {  	_ =	shalt  }
0x5b: {  	_ =	shalt  }
0x5c: {  	_ =	shalt  }
0x5d: {  	_ =	shalt  }
0x5e: {  	_ =	shalt  }
0x5f: {  	_ =	shalt  }
0x60: {  	_ =	shalt  }
0x61: {  	_ =	shalt  }
0x62: {  	_ =	shalt  }
0x63: {  	_ =	shalt  }
0x64: {  	_ =	shalt  }
0x65: {  	_ =	shalt  }
0x66: {  	_ =	shalt  }
0x67: {  	_ =	shalt  }
0x68: {  	_ =	shalt  }
0x69: {  	_ =	shalt  }
0x6a: {  	_ =	shalt  }
0x6b: {  	_ =	shalt  }
0x6c: {  	_ =	shalt  }
0x6d: {  	_ =	shalt  }
0x6e: {  	_ =	shalt  }
0x6f: {  	_ =	shalt  }
0x70: {  	_ =	shalt  }
0x71: {  	_ =	shalt  }
0x72: {  	_ =	shalt  }
0x73: {  	_ =	shalt  }
0x74: {  	_ =	shalt  }
0x75: {  	_ =	shalt  }
0x76: {  	_ =	shalt  }
0x77: {  	_ =	shalt  }
0x78: {  	_ =	shalt  }
0x79: {  	_ =	shalt  }
0x7a: {  	_ =	shalt  }
0x7b: {  	_ =	shalt  }
0x7c: {  	_ =	shalt  }
0x7d: {  	_ =	shalt  }
0x7e: {  	_ =	shalt  }
0x7f: {  	_ =	shalt  }
0x80: {  	_ =	shalt  }
0x81: {  	_ =	shalt  }
0x82: {  	_ =	shalt  }
0x83: {  	_ =	shalt  }
0x84: {  	_ =	shalt  }
0x85: {  	_ =	shalt  }
0x86: {  	_ =	shalt  }
0x87: {  	_ =	shalt  }
.Lfunc_end0:
.L_simem_size_0:
called_computation_lowered:
.L_overlay_start_0:
0x88: {  	s2 =	sld [smem:$0x3FD9]  }
0x89: {  	s3 =	sld [smem:$0x3FFE];
	_ =	sdelay $0x1  }
0x8a: {  	s1 =	srdreg.scid  }
0x8b: {  	s0 =	sand.u32 $0x1, s1  }
0x8c: {  	s17 =	sshll.u32 s0, $0xA;
	s2 =	sadd.s32 s3, s2  }
0x8d: {  	s2 =	sadd.s32 s2, s17  }
0x8e: {  	[smem:$0x3FC4] =	sst s2  }
0x8f: {  	_ = 	snop  }
0x90: {  	s2 =	sld [smem:$0x3FD0];
	(tm) =	ssettm $0x1  }
0x91: {  	s18 =	sld [smem:$0x3FFB];
	_ =	sdelay $0x3  }
0x92: {  	_ =	strace s18  }
0x93: {  	s3 =	sld [smem:$0x3FFC];
	_ =	sdelay $0x3  }
0x94: {  	_ =	strace s3  }
0x95: {  	s3 =	sld [smem:$0x3FFD];
	_ =	sdelay $0x3  }
0x96: {  	_ =	strace s3  }
0x97: {  	_ =	strace $0x8FFFFFFF  }
0x98: {  	s19 =	sld [smem:$0x3FDB];
	_ =	sdelay $0x1  }
0x99: {  	s4 =	simm.s32 $_scs_section_size  }
0x9a: {  	s5 =	simm.s32 $_size__tile_overlayer_lowered;
	s6 =	simm.s32 $_tile_overlayer_lowered  }
0x9b: {  	s22 =	simm.s32 $0x1BFF;
	s21 =	sshll.u32 s6, $0x1;
	s3 =	sadd.s32 s4, s19  }
0x9c: {  	s7 =	simm.s32 $0x0;
	s20 =	sshll.u32 s5, $0x1;
	s5 =	sadd.s32 s21, s3  }
0x9d: {  	[timem:s7], [sflag:s22] =	dma.local [hbm:s5], s20  }
0x9e: {  	_ =	swait.ge [sflag:s22], s20  }
0x9f: {  	s4 =	ssub.s32 $0x0, s20;
	[sflag:s22] =	ssyncset.done $0x0  }
0xa0: {  	[sflag:s22] =	ssyncadd.s32 s4;
	_ =	sdelay $0x1  }
0xa1: {  	s23 =	simm.s32 $0x1B8B  }
0xa2: {  	_ =	swait.ge [sflag:s23], $0x1  }
0xa3: {  	[sflag:s23] =	ssyncset.done $0x0  }
0xa4: {  	s25 =	simm.s32 $0x1B8E;
	s24 =	sld [smem:$0x3FFE];
	[sflag:s23] =	ssyncadd.s32 $0xFFFFFFFF  }
0xa5: {  	s26 =	simm.s32 $execute0_lowered;
	[smem:$0x3FD2] =	sst s25  }
0xa6: {  	s5 =	sshll.u32 s26, $0x1;
	_ =	strace $0x80000046;
	[dreg:$0x1] =	wrdreg $0xFFFFFFFF  }
0xa7: {  	s28 =	simm.s32 $_size_execute0_lowered;
	s3 =	sadd.s32 s3, s5;
	[dreg:$0x0] =	wrdreg $0x0  }
0xa8: {  	s5 =	sshll.u32 s28, $0x1;
	[dreg:$0x2] =	wrdreg s3  }
0xa9: {  	[dreg:$0x3] =	wrdreg s5  }
0xaa: {  	[dreg:$0x4] =	wrdreg $0xC0  }
0xab: {  	_ =	task [dreg:s7], $0x5FFFF  }
0xac: {  	[dreg:$0x1] =	wrdreg $0xFFFFFFFF  }
0xad: {  	[dreg:$0x0] =	wrdreg $0x60  }
0xae: {  	[dreg:$0x2] =	wrdreg s24  }
0xaf: {  	[dreg:$0x3] =	wrdreg s2  }
0xb0: {  	[dreg:$0x4] =	wrdreg $0x9  }
0xb1: {  	_ =	task.clear_ibuf [dreg:s7], $0x5FFFF;
	_ =	strace $0x90000046  }
0xb2: {  	s29 =	simm.s32 $0x9;
	_ =	strace $0x80000048  }
0xb3: {  	_ =	swait.ge [sflag:s29], $0x1  }
0xb4: {  	[sflag:s29] =	ssyncadd.s32 $0xFFFFFFFF  }
0xb5: {  	_ =	strace $0x90000048  }
0xb6: {  	_ =	sfence  }
0xb7: {  	s30 =	sld [smem:$0x0];
	_ =	sdelay $0x2  }
0xb8: {  	s31 =	sshll.u32 s1, $0xD;
	s1 =	sshrl.u32 s1, $0x2  }
0xb9: {  	s3 =	sand.u32 $0x4000, s31;
	s1 =	sadd.s32 s1, s30  }
0xba: {  	s0 =	sor.u32 s3, s0;
	s1 =	sshll.u32 s1, $0x11  }
0xbb: {  	s0 =	sor.u32 s1, s0  }
0xbc: {  	s0 =	sadd.s32 $0x8F2B, s0  }
0xbd: {  	[sflag:s0] =	ssyncadd.remote.s32 $0x1  }
0xbe: {  	_ =	sfence.sel $0xFFFF  }
0xbf: {  	[dreg:$0x0] =	wrdreg $0xFFFFFFFF;
	(pc) =	sbr.abs _section_cstart, $3  }
0xc0: {  	[dreg:$0x1] =	wrdreg $0xFFFFFFFF  }
0xc1: {  	_ =	task.clear_ibuf [dreg:s7], $0x2FFFF;
	_ =	strace $0x9FFFFFFF  }
0xc2: {  	(tm) =	ssettm $0x7FFFFFFF  }
0xc3: {  	_ =	shalt  }
tec
execute0_lowered:
.L_overlay_start_1:
0x0: {  	(tag) =	ssettag $0x1  }
0x1: {  	s0 =	rddreg [dreg:$0x0]  }
0x2: {  	s1 =	rddreg [dreg:$0x1]  }
0x3: {  	s2 =	simm.s32 $0x0;
	s3 =	srdreg.scid;
	s4 =	stileid.u32  }
0x4: {  	s10 =	simm.s32 $0x2;
	s11 =	simm.s32 $0x80;
	s13 =	simm.s32 $0x2000  }
0x5: {  	s9 =	simm.s32 $0x2500;
	s8 =	simm.s32 $0x2580;
	s12 =	simm.s32 $0x1E00  }
0x6: {  	s14 =	simm.s32 $0x2600;
	s15 =	simm.s32 $0x1E80;
	s16 =	simm.s32 $0x2680  }
0x7: {  	s17 =	simm.s32 $0x1F00;
	s18 =	simm.s32 $0x2700;
	s19 =	simm.s32 $0x1F80  }
0x8: {  	s20 =	simm.s32 $0x2780;
	s21 =	simm.s32 $0x1;
	s22 =	simm.s32 $0x2800  }
0x9: {  	v3 =	vlaneseq.u32;
	s23 =	simm.s32 $0x3000;
	s24 =	simm.s32 $0x0;
	[smem:$0x7FF] =	sst s2  }
0xa: {  	s3 =	sand.u32 $0x1, s3;
	s4 =	sshll.u32 s4, $0x12;
	v0 =	vmul.u32 $0x3, v3;
	_ =	strace $0x80000047  }
0xb: {  	v4 =	vimm.s32 $0x0;
	vm0 =	vcmask $0x300;
	v3 =	vmul.u32 $0x4, v3;
	s6 =	ssub.s32 $0x2, s3;
	s5 =	sshll.u32 s3, $0x11;
	s3 =	sadd.s32 $0x4080400, s0  }
0xc: {  	v7 =	vsel vm0, $0x7, v4;
	s7 =	sshrl.u32 s6, $0x1;
	s4 =	sor.u32 s5, s4;
	s5 =	sadd.s32 $0x400, s0;
	v1 =	vadd.s32 $0x1, v0;
	v2 =	vadd.s32 $0x2, v0  }
0xd: {  	s0 =	sadd.s32 $0x80400, s0;
	v5 =	vadd.s32 $0x41, v0;
	v6 =	vadd.s32 $0x42, v0;
	v8 =	vor.u32 $0x1, v3;
	s6 =	ssub.s32 s6, s7;
	s30 =	sshrl.u32 s4, $0x5  }
0xe: {  	v9 =	vor.u32 $0x2, v3;
	v10 =	vor.u32 $0x3, v3;
	v11 =	vor.u32 $0x40, v3;
	[dreg:$0x3] =	wrdreg s0;
	s7 =	sadd.s32 s1, s30;
	s31 =	smax.u32 s6, $0x1  }
0xf: {  	v12 =	vor.u32 $0x41, v3;
	v13 =	vor.u32 $0x42, v3;
	v14 =	vor.u32 $0x43, v3;
	s1 =	simm.s32 $0x1D00;
	s6 =	simm.s32 $0x1D80;
	[dreg:$0x4] =	wrdreg s31  }
.LBB2_1:
0x10: {  	[dreg:$0x5] =	wrdreg s24  }
0x11: {  	s0 =	rddreg [dreg:$0x3];
	s31 =	simm.s32 $0x3200  }
0x12: {  	[tilespmem:s31], [sflag:$0x2] =	stream.linear.gather [hbm4b:s0+s2], $0x80, $0x38;
	[tilespmem:$0x3280] =	vst v63  }
0x13: {  	_ =	swait.ge [sflag:s10], $0x80  }
0x14: {  	[sflag:s10] =	ssyncset.done $0x0  }
0x15: {  	[sflag:s10] =	ssyncadd.s32 $0xFFFFFF80  }
0x16: {  	v20 =	vld [tilespmem:$0x3200];
	_ =	sdelay $0x4  }
0x17: {  	v15 =	vbroadcast v20, $0x0;
	v16 =	vbroadcast v20, $0x3  }
0x18: {  	v17 =	vbroadcast v20, $0x1;
	v18 =	vbroadcast v20, $0x4  }
0x19: {  	s24 =	simm.s32 $0x0;
	v19 =	vbroadcast v20, $0x2;
	v20 =	vbroadcast v20, $0x5  }
.LBB2_2:
0x1a: {  	s25 =	sshll.u32 s24, $0xB  }
0x1b: {  	s25 =	sadd.s32 s4, s25  }
0x1c: {  	s25 =	smul.u32 $0x3, s25;
	_ =	sdelay $0x1  }
0x1d: {  	s26 =	simm.s32 $0x0;
	s25 =	sshrl.u32 s25, $0x3  }
0x1e: {  	v21 =	vor.u32 s26, v0;
	s25 =	sadd.s32 s3, s25  }
0x1f: {  	v22 =	vor.u32 s26, v1;
	[tilespmem:s2], [sflag:$0x2] =	stream.linear.gather [hbm4b:s25+s2], $0x1800, $0x38;
	[tilespmem:$0x3280] =	vst v63  }
0x20: {  	v23 =	vor.u32 s26, v2;
	_ =	swait.ge [sflag:s10], $0x1800  }
0x21: {  	[sflag:s10] =	ssyncset.done $0x0  }
0x22: {  	[sflag:s10] =	ssyncadd.s32 $0xFFFFE800  }
0x23: {  	v21 =	vld.idx.msk [tilespmem:v21+s2+$0x0], $0xffff  }
0x24: {  	v22 =	vld.idx.msk [tilespmem:v22+s2+$0x0], $0xffff  }
0x25: {  	v23 =	vld.idx.msk [tilespmem:v23+s2+$0x0], $0xffff;
	_ =	sdelay $0x3  }
0x26: {  	v21 =	vmul.f32 v21, v15;
	v22 =	vmul.f32 v22, v17  }
0x27: {  	v23 =	vmul.f32 v23, v19  }
0x28: {  	v21 =	vadd.f32 v21, v16;
	v22 =	vadd.f32 v22, v18  }
0x29: {  	v23 =	vadd.f32 v23, v20  }
0x2a: {  	s28 =	simm.s32 $0x30;
	v24 =	vadd.f32 $5.000000000e-01, v21;
	v25 =	vadd.f32 $5.000000000e-01, v22  }
0x2b: {  	v28 =	vadd.s32 s28, v1;
	v30 =	vadd.s32 s28, v2  }
0x2c: {  	v26 =	vadd.f32 $5.000000000e-01, v23;
	v24 =	vtrunc.f32 v24;
	v25 =	vtrunc.f32 v25  }
0x2d: {  	vm0 =	vge.f32 v21, $-5.000000000e-01;
	v24 =	vcvt.f32.s32 v24;
	v25 =	vcvt.f32.s32 v25  }
0x2e: {  	vm1 =	vge.f32 v22, $-5.000000000e-01;
	vm2 =	vlt.f32 v21, $2.555000000e+02;
	v21 =	vtrunc.f32 v26  }
0x2f: {  	v21 =	vcvt.f32.s32 v21;
	v24 =	vshll.u32 v24, $0x10;
	v25 =	vshll.u32 v25, $0x8  }
0x30: {  	vm6 =	vlt.f32 v22, $2.555000000e+02;
	vm0 =	vmand vm0, vm1;
	v22 =	vadd.s32 v24, v25  }
0x31: {  	vm7 =	vge.f32 v23, $-5.000000000e-01;
	vm0 =	vmand vm0, vm2;
	v22 =	vadd.s32 v21, v22  }
0x32: {  	vm8 =	vlt.f32 v23, $2.555000000e+02;
	vm0 =	vmand vm6, vm0;
	v22 =	vshra.s32 v22, $0x2  }
0x33: {  	v23 =	vadd.s32 s28, v0;
	vm0 =	vmand vm7, vm0;
	vm9 =	vgt.s32 v22, $0x0  }
0x34: {  	vm0 =	vmand vm8, vm0;
	v21 =	vshll.u32 v21, $0x3;
	v22 =	vnsel vm9, $0x0, v22  }
0x35: {  	s25 =	simm.s32 $0x1840;
	v29 =	vsel vm0, $0x20, v4;
	v21 =	vand.u32 $0x18, v21;
	v22 =	vmin.u32 v22, $0x3FFFFF  }
0x36: {  	s26 =	simm.s32 $0x2840;
	v21 =	vor.u32 v21, v29;
	[tilespmem:s25+$0xFFFFFFC0] =	vst v22  }
0x37: {  	[tilespmem:s26+$0xFFFFFFC0] =	vst v21  }
0x38: {  	v21 =	vld.idx.msk [tilespmem:v23+s2+$0x0], $0xffff  }
0x39: {  	v22 =	vld.idx.msk [tilespmem:v28+s2+$0x0], $0xffff  }
0x3a: {  	v23 =	vld.idx.msk [tilespmem:v30+s2+$0x0], $0xffff;
	_ =	sdelay $0x3  }
0x3b: {  	v21 =	vmul.f32 v21, v15;
	v22 =	vmul.f32 v22, v17  }
0x3c: {  	v23 =	vmul.f32 v23, v19  }
0x3d: {  	v21 =	vadd.f32 v21, v16;
	v22 =	vadd.f32 v22, v18  }
0x3e: {  	v23 =	vadd.f32 v23, v20  }
0x3f: {  	s28 =	simm.s32 $0x60;
	v31 =	vadd.f32 $5.000000000e-01, v21;
	v32 =	vadd.f32 $5.000000000e-01, v22  }
0x40: {  	v34 =	vadd.s32 s28, v1  }
0x41: {  	v33 =	vadd.f32 $5.000000000e-01, v23;
	v24 =	vtrunc.f32 v31;
	v25 =	vtrunc.f32 v32  }
0x42: {  	vm10 =	vge.f32 v21, $-5.000000000e-01;
	v24 =	vcvt.f32.s32 v24;
	v25 =	vcvt.f32.s32 v25  }
0x43: {  	vm11 =	vge.f32 v22, $-5.000000000e-01;
	vm12 =	vlt.f32 v21, $2.555000000e+02;
	v26 =	vtrunc.f32 v33  }
0x44: {  	v21 =	vcvt.f32.s32 v26;
	v24 =	vshll.u32 v24, $0x10;
	v25 =	vshll.u32 v25, $0x8  }
0x45: {  	vm13 =	vlt.f32 v22, $2.555000000e+02;
	vm0 =	vmand vm10, vm11;
	v22 =	vadd.s32 v24, v25  }
0x46: {  	vm14 =	vge.f32 v23, $-5.000000000e-01;
	vm0 =	vmand vm0, vm12;
	v22 =	vadd.s32 v21, v22  }
0x47: {  	vm15 =	vlt.f32 v23, $2.555000000e+02;
	vm0 =	vmand vm13, vm0;
	v22 =	vshra.s32 v22, $0x2  }
0x48: {  	v23 =	vadd.s32 s28, v0;
	vm0 =	vmand vm14, vm0;
	vm4 =	vgt.s32 v22, $0x0  }
0x49: {  	vm0 =	vmand vm15, vm0;
	v21 =	vshll.u32 v21, $0x3;
	v22 =	vnsel vm4, $0x0, v22  }
0x4a: {  	v35 =	vsel vm0, $0x20, v4;
	v21 =	vand.u32 $0x18, v21;
	v22 =	vmin.u32 v22, $0x3FFFFF  }
0x4b: {  	v21 =	vor.u32 v21, v35;
	[tilespmem:s25+$0xFFFFFFD0] =	vst v22;
	v22 =	vadd.s32 s28, v2  }
0x4c: {  	[tilespmem:s26+$0xFFFFFFD0] =	vst v21  }
0x4d: {  	v21 =	vld.idx.msk [tilespmem:v23+s2+$0x0], $0xffff  }
0x4e: {  	v23 =	vld.idx.msk [tilespmem:v34+s2+$0x0], $0xffff;
	_ =	sdelay $0x1  }
0x4f: {  	v22 =	vld.idx.msk [tilespmem:v22+s2+$0x0], $0xffff;
	_ =	sdelay $0x1  }
0x50: {  	v21 =	vmul.f32 v21, v15  }
0x51: {  	v23 =	vmul.f32 v23, v17  }
0x52: {  	v21 =	vadd.f32 v21, v16  }
0x53: {  	v23 =	vadd.f32 v23, v18;
	v22 =	vmul.f32 v22, v19  }
0x54: {  	v36 =	vadd.f32 $5.000000000e-01, v21  }
0x55: {  	v37 =	vadd.f32 $5.000000000e-01, v23;
	v22 =	vadd.f32 v22, v20  }
0x56: {  	vm5 =	vge.f32 v21, $-5.000000000e-01  }
0x57: {  	v24 =	vtrunc.f32 v36;
	v25 =	vtrunc.f32 v37;
	v38 =	vadd.f32 $5.000000000e-01, v22  }
0x58: {  	vm6 =	vge.f32 v23, $-5.000000000e-01;
	v24 =	vcvt.f32.s32 v24;
	v25 =	vcvt.f32.s32 v25  }
0x59: {  	vm7 =	vlt.f32 v21, $2.555000000e+02;
	vm0 =	vmand vm5, vm6;
	v21 =	vtrunc.f32 v38  }
0x5a: {  	v24 =	vshll.u32 v24, $0x10;
	v25 =	vshll.u32 v25, $0x8;
	v21 =	vcvt.f32.s32 v21  }
0x5b: {  	s28 =	simm.s32 $0x90;
	vm8 =	vlt.f32 v23, $2.555000000e+02;
	vm0 =	vmand vm0, vm7;
	v23 =	vadd.s32 v24, v25  }
0x5c: {  	v39 =	vadd.s32 s28, v0;
	vm0 =	vmand vm8, vm0;
	v23 =	vadd.s32 v21, v23  }
0x5d: {  	vm9 =	vge.f32 v22, $-5.000000000e-01;
	vm10 =	vlt.f32 v22, $2.555000000e+02;
	v22 =	vshra.s32 v23, $0x2  }
0x5e: {  	vm0 =	vmand vm9, vm0;
	v23 =	vadd.s32 s28, v1;
	vm11 =	vgt.s32 v22, $0x0  }
0x5f: {  	vm0 =	vmand vm10, vm0;
	v21 =	vshll.u32 v21, $0x3;
	v22 =	vnsel vm11, $0x0, v22  }
0x60: {  	v40 =	vsel vm0, $0x20, v4;
	v21 =	vand.u32 $0x18, v21;
	v22 =	vmin.u32 v22, $0x3FFFFF  }
0x61: {  	v21 =	vor.u32 v21, v40;
	[tilespmem:s25+$0xFFFFFFE0] =	vst v22;
	v22 =	vadd.s32 s28, v2  }
0x62: {  	[tilespmem:s26+$0xFFFFFFE0] =	vst v21  }
0x63: {  	v21 =	vld.idx.msk [tilespmem:v23+s2+$0x0], $0xffff  }
0x64: {  	v23 =	vld.idx.msk [tilespmem:v39+s2+$0x0], $0xffff;
	_ =	sdelay $0x1  }
0x65: {  	v22 =	vld.idx.msk [tilespmem:v22+s2+$0x0], $0xffff;
	_ =	sdelay $0x1  }
0x66: {  	v21 =	vmul.f32 v21, v17  }
0x67: {  	v23 =	vmul.f32 v23, v15  }
0x68: {  	v21 =	vadd.f32 v21, v18  }
0x69: {  	v23 =	vadd.f32 v23, v16;
	v22 =	vmul.f32 v22, v19  }
0x6a: {  	v41 =	vadd.f32 $5.000000000e-01, v21  }
0x6b: {  	v42 =	vadd.f32 $5.000000000e-01, v23;
	v22 =	vadd.f32 v22, v20  }
0x6c: {  	vm12 =	vge.f32 v21, $-5.000000000e-01  }
0x6d: {  	v24 =	vtrunc.f32 v41;
	v25 =	vtrunc.f32 v42;
	v43 =	vadd.f32 $5.000000000e-01, v22  }
0x6e: {  	vm13 =	vge.f32 v23, $-5.000000000e-01;
	v24 =	vcvt.f32.s32 v24;
	v25 =	vcvt.f32.s32 v25  }
0x6f: {  	vm14 =	vlt.f32 v23, $2.555000000e+02;
	vm0 =	vmand vm13, vm12;
	v23 =	vtrunc.f32 v43  }
0x70: {  	v25 =	vshll.u32 v25, $0x10;
	v24 =	vshll.u32 v24, $0x8;
	v23 =	vcvt.f32.s32 v23  }
0x71: {  	s28 =	simm.s32 $0xC0;
	vm15 =	vlt.f32 v21, $2.555000000e+02;
	vm0 =	vmand vm0, vm14;
	v21 =	vadd.s32 v25, v24  }
0x72: {  	v44 =	vor.u32 s28, v5;
	vm0 =	vmand vm15, vm0;
	v21 =	vadd.s32 v23, v21  }
0x73: {  	vm4 =	vge.f32 v22, $-5.000000000e-01;
	vm5 =	vlt.f32 v22, $2.555000000e+02;
	v21 =	vshra.s32 v21, $0x2  }
0x74: {  	v22 =	vor.u32 s28, v0;
	vm0 =	vmand vm4, vm0;
	vm6 =	vgt.s32 v21, $0x0  }
0x75: {  	vm0 =	vmand vm5, vm0;
	v23 =	vshll.u32 v23, $0x3;
	v21 =	vnsel vm6, $0x0, v21  }
0x76: {  	v45 =	vsel vm0, $0x20, v4;
	v23 =	vand.u32 $0x18, v23;
	v21 =	vmin.u32 v21, $0x3FFFFF  }
0x77: {  	v23 =	vor.u32 v23, v45;
	[tilespmem:s25+$0xFFFFFFF0] =	vst v21;
	v21 =	vor.u32 s28, v6  }
0x78: {  	[tilespmem:s26+$0xFFFFFFF0] =	vst v23  }
0x79: {  	v22 =	vld.idx.msk [tilespmem:v22+s2+$0x0], $0xffff  }
0x7a: {  	v23 =	vld.idx.msk [tilespmem:v44+s2+$0x0], $0xffff;
	_ =	sdelay $0x1  }
0x7b: {  	v21 =	vld.idx.msk [tilespmem:v21+s2+$0x0], $0xffff;
	_ =	sdelay $0x1  }
0x7c: {  	v22 =	vmul.f32 v22, v15  }
0x7d: {  	v23 =	vmul.f32 v23, v17  }
0x7e: {  	v22 =	vadd.f32 v22, v16  }
0x7f: {  	v23 =	vadd.f32 v23, v18;
	v21 =	vmul.f32 v21, v19  }
0x80: {  	v46 =	vadd.f32 $5.000000000e-01, v22  }
0x81: {  	s28 =	simm.s32 $0xF0;
	v47 =	vadd.f32 $5.000000000e-01, v23;
	v21 =	vadd.f32 v21, v20  }
0x82: {  	v49 =	vadd.s32 s28, v1;
	vm7 =	vge.f32 v22, $-5.000000000e-01  }
0x83: {  	v24 =	vtrunc.f32 v46;
	v25 =	vtrunc.f32 v47;
	v48 =	vadd.f32 $5.000000000e-01, v21  }
0x84: {  	vm8 =	vge.f32 v23, $-5.000000000e-01;
	v24 =	vcvt.f32.s32 v24;
	v25 =	vcvt.f32.s32 v25  }
0x85: {  	vm9 =	vlt.f32 v22, $2.555000000e+02;
	vm0 =	vmand vm7, vm8;
	v22 =	vtrunc.f32 v48  }
0x86: {  	v24 =	vshll.u32 v24, $0x10;
	v25 =	vshll.u32 v25, $0x8;
	v22 =	vcvt.f32.s32 v22  }
0x87: {  	vm10 =	vlt.f32 v23, $2.555000000e+02;
	vm0 =	vmand vm0, vm9;
	v23 =	vadd.s32 v24, v25  }
0x88: {  	v51 =	vadd.s32 s28, v2;
	vm0 =	vmand vm10, vm0;
	v23 =	vadd.s32 v22, v23  }
0x89: {  	vm11 =	vge.f32 v21, $-5.000000000e-01;
	vm12 =	vlt.f32 v21, $2.555000000e+02;
	v21 =	vshra.s32 v23, $0x2  }
0x8a: {  	vm0 =	vmand vm11, vm0;
	v23 =	vadd.s32 s28, v0;
	vm13 =	vgt.s32 v21, $0x0  }
0x8b: {  	vm0 =	vmand vm12, vm0;
	v22 =	vshll.u32 v22, $0x3;
	v21 =	vnsel vm13, $0x0, v21  }
0x8c: {  	v50 =	vsel vm0, $0x20, v4;
	v22 =	vand.u32 $0x18, v22;
	v21 =	vmin.u32 v21, $0x3FFFFF  }
0x8d: {  	v22 =	vor.u32 v22, v50;
	[tilespmem:s25+$0x0] =	vst v21  }
0x8e: {  	[tilespmem:s26+$0x0] =	vst v22  }
0x8f: {  	v21 =	vld.idx.msk [tilespmem:v23+s2+$0x0], $0xffff  }
0x90: {  	v22 =	vld.idx.msk [tilespmem:v49+s2+$0x0], $0xffff  }
0x91: {  	v23 =	vld.idx.msk [tilespmem:v51+s2+$0x0], $0xffff;
	_ =	sdelay $0x3  }
0x92: {  	v21 =	vmul.f32 v21, v15;
	v22 =	vmul.f32 v22, v17  }
0x93: {  	v23 =	vmul.f32 v23, v19  }
0x94: {  	v21 =	vadd.f32 v21, v16;
	v22 =	vadd.f32 v22, v18  }
0x95: {  	v23 =	vadd.f32 v23, v20  }
0x96: {  	s28 =	simm.s32 $0x120;
	v52 =	vadd.f32 $5.000000000e-01, v21;
	v53 =	vadd.f32 $5.000000000e-01, v22  }
0x97: {  	v55 =	vadd.s32 s28, v1;
	v57 =	vadd.s32 s28, v2  }
0x98: {  	v54 =	vadd.f32 $5.000000000e-01, v23;
	v24 =	vtrunc.f32 v52;
	v25 =	vtrunc.f32 v53  }
0x99: {  	vm14 =	vge.f32 v21, $-5.000000000e-01;
	v24 =	vcvt.f32.s32 v24;
	v25 =	vcvt.f32.s32 v25  }
0x9a: {  	vm15 =	vge.f32 v22, $-5.000000000e-01;
	vm4 =	vlt.f32 v21, $2.555000000e+02;
	v26 =	vtrunc.f32 v54  }
0x9b: {  	v21 =	vcvt.f32.s32 v26;
	v24 =	vshll.u32 v24, $0x10;
	v25 =	vshll.u32 v25, $0x8  }
0x9c: {  	vm5 =	vlt.f32 v22, $2.555000000e+02;
	vm0 =	vmand vm14, vm15;
	v22 =	vadd.s32 v24, v25  }
0x9d: {  	vm6 =	vge.f32 v23, $-5.000000000e-01;
	vm0 =	vmand vm0, vm4;
	v22 =	vadd.s32 v21, v22  }
0x9e: {  	vm7 =	vlt.f32 v23, $2.555000000e+02;
	vm0 =	vmand vm5, vm0;
	v22 =	vshra.s32 v22, $0x2  }
0x9f: {  	v23 =	vadd.s32 s28, v0;
	vm0 =	vmand vm6, vm0;
	vm8 =	vgt.s32 v22, $0x0  }
0xa0: {  	vm0 =	vmand vm7, vm0;
	v21 =	vshll.u32 v21, $0x3;
	v22 =	vnsel vm8, $0x0, v22  }
0xa1: {  	v56 =	vsel vm0, $0x20, v4;
	v21 =	vand.u32 $0x18, v21;
	v22 =	vmin.u32 v22, $0x3FFFFF  }
0xa2: {  	v21 =	vor.u32 v21, v56;
	[tilespmem:s25+$0x10] =	vst v22  }
0xa3: {  	[tilespmem:s26+$0x10] =	vst v21  }
0xa4: {  	v21 =	vld.idx.msk [tilespmem:v23+s2+$0x0], $0xffff  }
0xa5: {  	v22 =	vld.idx.msk [tilespmem:v55+s2+$0x0], $0xffff  }
0xa6: {  	v23 =	vld.idx.msk [tilespmem:v57+s2+$0x0], $0xffff;
	_ =	sdelay $0x3  }
0xa7: {  	v21 =	vmul.f32 v21, v15;
	v22 =	vmul.f32 v22, v17  }
0xa8: {  	v23 =	vmul.f32 v23, v19  }
0xa9: {  	v21 =	vadd.f32 v21, v16;
	v22 =	vadd.f32 v22, v18  }
0xaa: {  	v23 =	vadd.f32 v23, v20  }
0xab: {  	v58 =	vadd.f32 $5.000000000e-01, v21;
	v59 =	vadd.f32 $5.000000000e-01, v22  }
0xac: {  	vm9 =	vge.f32 v21, $-5.000000000e-01;
	v60 =	vadd.f32 $5.000000000e-01, v23  }
0xad: {  	s28 =	simm.s32 $0x150;
	vm11 =	vlt.f32 v21, $2.555000000e+02;
	v24 =	vtrunc.f32 v58;
	v21 =	vtrunc.f32 v59  }
0xae: {  	v61 =	vadd.s32 s28, v1;
	v24 =	vcvt.f32.s32 v24;
	v21 =	vcvt.f32.s32 v21  }
0xaf: {  	vm10 =	vge.f32 v22, $-5.000000000e-01;
	vm12 =	vlt.f32 v22, $2.555000000e+02;
	v22 =	vtrunc.f32 v60  }
0xb0: {  	v22 =	vcvt.f32.s32 v22;
	v24 =	vshll.u32 v24, $0x10;
	v21 =	vshll.u32 v21, $0x8  }
0xb1: {  	v63 =	vadd.s32 s28, v2;
	vm0 =	vmand vm9, vm10;
	v21 =	vadd.s32 v24, v21  }
0xb2: {  	vm13 =	vge.f32 v23, $-5.000000000e-01;
	vm0 =	vmand vm0, vm11;
	v21 =	vadd.s32 v22, v21  }
0xb3: {  	vm14 =	vlt.f32 v23, $2.555000000e+02;
	vm0 =	vmand vm12, vm0;
	v21 =	vshra.s32 v21, $0x2  }
0xb4: {  	v23 =	vadd.s32 s28, v0;
	vm0 =	vmand vm13, vm0;
	vm15 =	vgt.s32 v21, $0x0  }
0xb5: {  	vm0 =	vmand vm14, vm0;
	v22 =	vshll.u32 v22, $0x3;
	v21 =	vnsel vm15, $0x0, v21  }
0xb6: {  	v62 =	vsel vm0, $0x20, v4;
	v22 =	vand.u32 $0x18, v22;
	v21 =	vmin.u32 v21, $0x3FFFFF  }
0xb7: {  	v22 =	vor.u32 v22, v62;
	[tilespmem:s25+$0x20] =	vst v21  }
0xb8: {  	[tilespmem:s26+$0x20] =	vst v22  }
0xb9: {  	v21 =	vld.idx.msk [tilespmem:v23+s2+$0x0], $0xffff  }
0xba: {  	v22 =	vld.idx.msk [tilespmem:v61+s2+$0x0], $0xffff  }
0xbb: {  	v23 =	vld.idx.msk [tilespmem:v63+s2+$0x0], $0xffff;
	_ =	sdelay $0x2  }
0xbc: {  	v21 =	vmul.f32 v21, v15  }
0xbd: {  	v22 =	vmul.f32 v22, v17  }
0xbe: {  	s30 =	simm.s32 $0x2D0;
	s29 =	simm.s32 $0x2840;
	s28 =	simm.s32 $0x1840;
	v23 =	vmul.f32 v23, v19;
	v21 =	vadd.f32 v21, v16  }
.LBB2_3:
0xbf: {  	p0 =	sne.s32 s30, $0x17D0;
	v22 =	vadd.f32 v22, v18;
	s26 =	sadd.s32 $0x80, s26;
	s25 =	sadd.s32 $0x80, s25  }
0xc0: {  	s31 =	smov.u32 s30;
	s30 =	sadd.s32 $0x180, s30;
	v23 =	vadd.f32 v23, v20;
	vm0 =	vge.f32 v21, $-5.000000000e-01;
	v24 =	vadd.f32 $5.000000000e-01, v21  }
0xc1: {  	vm1 =	vge.f32 v22, $-5.000000000e-01;
	vm2 =	vlt.f32 v22, $2.555000000e+02;
	v22 =	vadd.f32 $5.000000000e-01, v22  }
0xc2: {  	vm0 =	vmand vm0, vm1;
	v24 =	vtrunc.f32 v24;
	v25 =	vadd.f32 $5.000000000e-01, v23  }
0xc3: {  	vm1 =	vlt.f32 v21, $2.555000000e+02;
	v21 =	vcvt.f32.s32 v24;
	v22 =	vtrunc.f32 v22  }
0xc4: {  	vm0 =	vmand vm0, vm1;
	v22 =	vcvt.f32.s32 v22;
	v24 =	vtrunc.f32 v25  }
0xc5: {  	vm1 =	vge.f32 v23, $-5.000000000e-01;
	vm0 =	vmand vm2, vm0  }
0xc6: {  	v24 =	vcvt.f32.s32 v24;
	v21 =	vshll.u32 v21, $0x10;
	v22 =	vshll.u32 v22, $0x8  }
0xc7: {  	s0 =	sadd.s32 $0xFFFFFEB0, s31;
	vm0 =	vmand vm1, vm0;
	vm1 =	vlt.f32 v23, $2.555000000e+02;
	v21 =	vadd.s32 v21, v22  }
0xc8: {  	v23 =	vor.u32 s0, v1;
	v22 =	vor.u32 s0, v0;
	v21 =	vadd.s32 v24, v21  }
0xc9: {  	v25 =	vor.u32 s0, v2;
	v24 =	vshll.u32 v24, $0x3;
	v21 =	vshra.s32 v21, $0x2  }
0xca: {  	vm0 =	vmand vm1, vm0;
	vm1 =	vgt.s32 v21, $0x0  }
0xcb: {  	v21 =	vnsel vm1, $0x0, v21  }
0xcc: {  	v26 =	vsel vm0, $0x20, v4;
	v24 =	vand.u32 $0x18, v24;
	v21 =	vmin.u32 v21, $0x3FFFFF  }
0xcd: {  	v24 =	vor.u32 v24, v26;
	[tilespmem:s28+$0x30] =	vst v21;
	s28 =	smov.u32 s25  }
0xce: {  	[tilespmem:s29+$0x30] =	vst v24;
	s29 =	smov.u32 s26  }
0xcf: {  	v21 =	vld.idx.msk [tilespmem:v22+s2+$0x0], $0xffff  }
0xd0: {  	v22 =	vld.idx.msk [tilespmem:v23+s2+$0x0], $0xffff  }
0xd1: {  	v23 =	vld.idx.msk [tilespmem:v25+s2+$0x0], $0xffff;
	_ =	sdelay $0x3  }
0xd2: {  	v21 =	vmul.f32 v21, v15  }
0xd3: {  	v22 =	vmul.f32 v22, v17  }
0xd4: {  	v21 =	vadd.f32 v21, v16;
	v23 =	vmul.f32 v23, v19  }
0xd5: {  	v22 =	vadd.f32 v22, v18  }
0xd6: {  	v23 =	vadd.f32 v23, v20;
	v24 =	vadd.f32 $5.000000000e-01, v21  }
0xd7: {  	vm0 =	vge.f32 v21, $-5.000000000e-01;
	vm1 =	vlt.f32 v21, $2.555000000e+02;
	v21 =	vadd.f32 $5.000000000e-01, v22  }
0xd8: {  	vm2 =	vge.f32 v22, $-5.000000000e-01;
	v24 =	vtrunc.f32 v24;
	v25 =	vadd.f32 $5.000000000e-01, v23  }
0xd9: {  	vm3 =	vge.f32 v23, $-5.000000000e-01;
	v24 =	vcvt.f32.s32 v24;
	v21 =	vtrunc.f32 v21  }
0xda: {  	vm4 =	vlt.f32 v23, $2.555000000e+02;
	v21 =	vcvt.f32.s32 v21;
	v23 =	vtrunc.f32 v25  }
0xdb: {  	vm0 =	vmand vm0, vm2;
	vm2 =	vlt.f32 v22, $2.555000000e+02;
	v22 =	vshll.u32 v24, $0x10  }
0xdc: {  	vm0 =	vmand vm0, vm1;
	v23 =	vcvt.f32.s32 v23;
	v21 =	vshll.u32 v21, $0x8  }
0xdd: {  	vm0 =	vmand vm2, vm0;
	v21 =	vadd.s32 v22, v21  }
0xde: {  	vm0 =	vmand vm3, vm0;
	v22 =	vshll.u32 v23, $0x3;
	v21 =	vadd.s32 v23, v21  }
0xdf: {  	s0 =	sadd.s32 $0xFFFFFEE0, s31;
	vm0 =	vmand vm4, vm0;
	v21 =	vshra.s32 v21, $0x2  }
0xe0: {  	v24 =	vadd.s32 s0, v0;
	v23 =	vsel vm0, $0x20, v4;
	vm1 =	vgt.s32 v21, $0x0  }
0xe1: {  	v25 =	vadd.s32 s0, v2;
	v21 =	vnsel vm1, $0x0, v21  }
0xe2: {  	v22 =	vand.u32 $0x18, v22;
	v21 =	vmin.u32 v21, $0x3FFFFF  }
0xe3: {  	v22 =	vor.u32 v22, v23;
	[tilespmem:s25+$0xFFFFFFC0] =	vst v21;
	v21 =	vadd.s32 s0, v1  }
0xe4: {  	[tilespmem:s26+$0xFFFFFFC0] =	vst v22  }
0xe5: {  	v22 =	vld.idx.msk [tilespmem:v24+s2+$0x0], $0xffff  }
0xe6: {  	v23 =	vld.idx.msk [tilespmem:v25+s2+$0x0], $0xffff;
	_ =	sdelay $0x1  }
0xe7: {  	v21 =	vld.idx.msk [tilespmem:v21+s2+$0x0], $0xffff;
	_ =	sdelay $0x2  }
0xe8: {  	v22 =	vmul.f32 v22, v15  }
0xe9: {  	v23 =	vmul.f32 v23, v19  }
0xea: {  	v22 =	vadd.f32 v22, v16  }
0xeb: {  	v21 =	vmul.f32 v21, v17;
	v23 =	vadd.f32 v23, v20  }
0xec: {  	v24 =	vadd.f32 $5.000000000e-01, v22  }
0xed: {  	v21 =	vadd.f32 v21, v18;
	v25 =	vadd.f32 $5.000000000e-01, v23  }
0xee: {  	v24 =	vtrunc.f32 v24  }
0xef: {  	vm0 =	vlt.f32 v21, $2.555000000e+02;
	v24 =	vcvt.f32.s32 v24;
	v26 =	vadd.f32 $5.000000000e-01, v21  }
0xf0: {  	vm1 =	vge.f32 v22, $-5.000000000e-01;
	vm2 =	vge.f32 v21, $-5.000000000e-01;
	v21 =	vtrunc.f32 v25  }
0xf1: {  	vm3 =	vlt.f32 v22, $2.555000000e+02;
	vm1 =	vmand vm1, vm2;
	v22 =	vtrunc.f32 v26  }
0xf2: {  	vm1 =	vmand vm1, vm3;
	v22 =	vcvt.f32.s32 v22  }
0xf3: {  	vm0 =	vmand vm0, vm1;
	vm1 =	vge.f32 v23, $-5.000000000e-01  }
0xf4: {  	v21 =	vcvt.f32.s32 v21;
	v24 =	vshll.u32 v24, $0x10;
	v22 =	vshll.u32 v22, $0x8  }
0xf5: {  	vm0 =	vmand vm1, vm0;
	vm1 =	vlt.f32 v23, $2.555000000e+02;
	v22 =	vadd.s32 v24, v22  }
0xf6: {  	vm0 =	vmand vm1, vm0;
	v22 =	vadd.s32 v21, v22;
	v21 =	vshll.u32 v21, $0x3  }
0xf7: {  	s0 =	sadd.s32 $0xFFFFFF10, s31;
	v23 =	vsel vm0, $0x20, v4;
	v22 =	vshra.s32 v22, $0x2  }
0xf8: {  	v24 =	vadd.s32 s0, v0;
	vm0 =	vgt.s32 v22, $0x0  }
0xf9: {  	v25 =	vadd.s32 s0, v1;
	v22 =	vnsel vm0, $0x0, v22  }
0xfa: {  	v21 =	vand.u32 $0x18, v21;
	v22 =	vmin.u32 v22, $0x3FFFFF  }
0xfb: {  	v21 =	vor.u32 v21, v23;
	[tilespmem:s25+$0xFFFFFFD0] =	vst v22;
	v22 =	vadd.s32 s0, v2  }
0xfc: {  	[tilespmem:s26+$0xFFFFFFD0] =	vst v21  }
0xfd: {  	v21 =	vld.idx.msk [tilespmem:v24+s2+$0x0], $0xffff  }
0xfe: {  	v23 =	vld.idx.msk [tilespmem:v25+s2+$0x0], $0xffff;
	_ =	sdelay $0x1  }
0xff: {  	v22 =	vld.idx.msk [tilespmem:v22+s2+$0x0], $0xffff;
	_ =	sdelay $0x2  }
0x100: {  	v21 =	vmul.f32 v21, v15  }
0x101: {  	v23 =	vmul.f32 v23, v17  }
0x102: {  	v21 =	vadd.f32 v21, v16  }
0x103: {  	v23 =	vadd.f32 v23, v18;
	v22 =	vmul.f32 v22, v19  }
0x104: {  	vm0 =	vge.f32 v21, $-5.000000000e-01;
	v24 =	vadd.f32 $5.000000000e-01, v21  }
0x105: {  	v22 =	vadd.f32 v22, v20;
	vm1 =	vge.f32 v23, $-5.000000000e-01;
	v25 =	vadd.f32 $5.000000000e-01, v23  }
0x106: {  	vm2 =	vlt.f32 v21, $2.555000000e+02;
	vm0 =	vmand vm0, vm1;
	v21 =	vtrunc.f32 v24  }
0x107: {  	v21 =	vcvt.f32.s32 v21;
	v24 =	vtrunc.f32 v25;
	v25 =	vadd.f32 $5.000000000e-01, v22  }
0x108: {  	vm1 =	vlt.f32 v23, $2.555000000e+02;
	vm0 =	vmand vm0, vm2;
	v23 =	vcvt.f32.s32 v24  }
0x109: {  	vm0 =	vmand vm1, vm0;
	vm1 =	vge.f32 v22, $-5.000000000e-01;
	v24 =	vtrunc.f32 v25  }
0x10a: {  	v21 =	vshll.u32 v21, $0x10;
	v24 =	vcvt.f32.s32 v24;
	v23 =	vshll.u32 v23, $0x8  }
0x10b: {  	vm0 =	vmand vm1, vm0;
	vm1 =	vlt.f32 v22, $2.555000000e+02;
	v21 =	vadd.s32 v21, v23  }
0x10c: {  	vm0 =	vmand vm1, vm0;
	v21 =	vadd.s32 v24, v21  }
0x10d: {  	s0 =	sadd.s32 $0xFFFFFF40, s31;
	v22 =	vsel vm0, $0x20, v4;
	v21 =	vshra.s32 v21, $0x2  }
0x10e: {  	v23 =	vadd.s32 s0, v1;
	vm0 =	vgt.s32 v21, $0x0  }
0x10f: {  	v25 =	vadd.s32 s0, v0;
	v24 =	vshll.u32 v24, $0x3;
	v21 =	vnsel vm0, $0x0, v21  }
0x110: {  	v24 =	vand.u32 $0x18, v24;
	v21 =	vmin.u32 v21, $0x3FFFFF  }
0x111: {  	v22 =	vor.u32 v24, v22;
	[tilespmem:s25+$0xFFFFFFE0] =	vst v21;
	v21 =	vadd.s32 s0, v2  }
0x112: {  	[tilespmem:s26+$0xFFFFFFE0] =	vst v22  }
0x113: {  	v22 =	vld.idx.msk [tilespmem:v23+s2+$0x0], $0xffff  }
0x114: {  	v23 =	vld.idx.msk [tilespmem:v25+s2+$0x0], $0xffff;
	_ =	sdelay $0x1  }
0x115: {  	v21 =	vld.idx.msk [tilespmem:v21+s2+$0x0], $0xffff;
	_ =	sdelay $0x2  }
0x116: {  	v22 =	vmul.f32 v22, v17  }
0x117: {  	v23 =	vmul.f32 v23, v15  }
0x118: {  	v22 =	vadd.f32 v22, v18  }
0x119: {  	v23 =	vadd.f32 v23, v16;
	v21 =	vmul.f32 v21, v19  }
0x11a: {  	vm0 =	vge.f32 v22, $-5.000000000e-01;
	v24 =	vadd.f32 $5.000000000e-01, v22  }
0x11b: {  	v21 =	vadd.f32 v21, v20;
	vm1 =	vge.f32 v23, $-5.000000000e-01;
	v25 =	vadd.f32 $5.000000000e-01, v23  }
0x11c: {  	vm2 =	vlt.f32 v23, $2.555000000e+02;
	vm0 =	vmand vm1, vm0;
	v23 =	vtrunc.f32 v24  }
0x11d: {  	v24 =	vtrunc.f32 v25;
	v23 =	vcvt.f32.s32 v23;
	v25 =	vadd.f32 $5.000000000e-01, v21  }
0x11e: {  	vm1 =	vlt.f32 v22, $2.555000000e+02;
	vm0 =	vmand vm0, vm2;
	v22 =	vcvt.f32.s32 v24  }
0x11f: {  	vm0 =	vmand vm1, vm0;
	vm1 =	vge.f32 v21, $-5.000000000e-01;
	v24 =	vtrunc.f32 v25  }
0x120: {  	v23 =	vshll.u32 v23, $0x8;
	v24 =	vcvt.f32.s32 v24;
	v22 =	vshll.u32 v22, $0x10  }
0x121: {  	vm0 =	vmand vm1, vm0;
	vm1 =	vlt.f32 v21, $2.555000000e+02;
	v21 =	vadd.s32 v22, v23  }
0x122: {  	vm0 =	vmand vm1, vm0;
	v21 =	vadd.s32 v24, v21;
	v22 =	vshll.u32 v24, $0x3  }
0x123: {  	s0 =	sadd.s32 $0xFFFFFF70, s31;
	v23 =	vsel vm0, $0x20, v4;
	v21 =	vshra.s32 v21, $0x2;
	v22 =	vand.u32 $0x18, v22  }
0x124: {  	vm0 =	vgt.s32 v21, $0x0;
	v22 =	vor.u32 v22, v23;
	v23 =	vor.u32 s0, v0  }
0x125: {  	v24 =	vor.u32 s0, v5;
	v21 =	vnsel vm0, $0x0, v21  }
0x126: {  	v21 =	vmin.u32 v21, $0x3FFFFF  }
0x127: {  	[tilespmem:s25+$0xFFFFFFF0] =	vst v21;
	v21 =	vor.u32 s0, v6  }
0x128: {  	[tilespmem:s26+$0xFFFFFFF0] =	vst v22  }
0x129: {  	v22 =	vld.idx.msk [tilespmem:v23+s2+$0x0], $0xffff  }
0x12a: {  	v23 =	vld.idx.msk [tilespmem:v24+s2+$0x0], $0xffff;
	_ =	sdelay $0x1  }
0x12b: {  	v21 =	vld.idx.msk [tilespmem:v21+s2+$0x0], $0xffff;
	_ =	sdelay $0x2  }
0x12c: {  	v22 =	vmul.f32 v22, v15  }
0x12d: {  	v23 =	vmul.f32 v23, v17  }
0x12e: {  	v22 =	vadd.f32 v22, v16  }
0x12f: {  	v23 =	vadd.f32 v23, v18;
	v21 =	vmul.f32 v21, v19  }
0x130: {  	vm0 =	vge.f32 v22, $-5.000000000e-01;
	v24 =	vadd.f32 $5.000000000e-01, v22  }
0x131: {  	v21 =	vadd.f32 v21, v20;
	vm1 =	vge.f32 v23, $-5.000000000e-01;
	v25 =	vadd.f32 $5.000000000e-01, v23  }
0x132: {  	vm2 =	vlt.f32 v22, $2.555000000e+02;
	vm0 =	vmand vm0, vm1;
	v22 =	vtrunc.f32 v24  }
0x133: {  	v22 =	vcvt.f32.s32 v22;
	v24 =	vtrunc.f32 v25;
	v25 =	vadd.f32 $5.000000000e-01, v21  }
0x134: {  	vm1 =	vlt.f32 v23, $2.555000000e+02;
	vm0 =	vmand vm0, vm2;
	v23 =	vcvt.f32.s32 v24  }
0x135: {  	vm0 =	vmand vm1, vm0;
	vm1 =	vge.f32 v21, $-5.000000000e-01;
	v24 =	vtrunc.f32 v25  }
0x136: {  	v22 =	vshll.u32 v22, $0x10;
	v24 =	vcvt.f32.s32 v24;
	v23 =	vshll.u32 v23, $0x8  }
0x137: {  	vm0 =	vmand vm1, vm0;
	vm1 =	vlt.f32 v21, $2.555000000e+02;
	v21 =	vadd.s32 v22, v23  }
0x138: {  	vm0 =	vmand vm1, vm0;
	v21 =	vadd.s32 v24, v21  }
0x139: {  	s0 =	sadd.s32 $0xFFFFFFA0, s31;
	v21 =	vshra.s32 v21, $0x2  }
0x13a: {  	v22 =	vadd.s32 s0, v0;
	vm1 =	vgt.s32 v21, $0x0  }
0x13b: {  	v23 =	vshll.u32 v24, $0x3;
	v24 =	vadd.s32 s0, v2;
	v21 =	vnsel vm1, $0x0, v21  }
0x13c: {  	v25 =	vsel vm0, $0x20, v4;
	v23 =	vand.u32 $0x18, v23;
	v21 =	vmin.u32 v21, $0x3FFFFF  }
0x13d: {  	v23 =	vor.u32 v23, v25;
	[tilespmem:s25+$0x0] =	vst v21  }
0x13e: {  	v21 =	vadd.s32 s0, v1;
	[tilespmem:s26+$0x0] =	vst v23  }
0x13f: {  	v22 =	vld.idx.msk [tilespmem:v22+s2+$0x0], $0xffff  }
0x140: {  	v23 =	vld.idx.msk [tilespmem:v24+s2+$0x0], $0xffff;
	_ =	sdelay $0x2  }
0x141: {  	v21 =	vld.idx.msk [tilespmem:v21+s2+$0x0], $0xffff;
	_ =	sdelay $0x1  }
0x142: {  	v22 =	vmul.f32 v22, v15  }
0x143: {  	v23 =	vmul.f32 v23, v19  }
0x144: {  	v22 =	vadd.f32 v22, v16  }
0x145: {  	v23 =	vadd.f32 v23, v20  }
0x146: {  	v21 =	vmul.f32 v21, v17;
	v24 =	vadd.f32 $5.000000000e-01, v22  }
0x147: {  	v25 =	vadd.f32 $5.000000000e-01, v23  }
0x148: {  	v21 =	vadd.f32 v21, v18;
	v24 =	vtrunc.f32 v24  }
0x149: {  	v24 =	vcvt.f32.s32 v24;
	v25 =	vtrunc.f32 v25  }
0x14a: {  	vm0 =	vge.f32 v22, $-5.000000000e-01;
	vm1 =	vge.f32 v21, $-5.000000000e-01;
	v26 =	vadd.f32 $5.000000000e-01, v21  }
0x14b: {  	vm2 =	vlt.f32 v22, $2.555000000e+02;
	vm0 =	vmand vm0, vm1  }
0x14c: {  	vm1 =	vlt.f32 v21, $2.555000000e+02;
	vm0 =	vmand vm0, vm2;
	v21 =	vtrunc.f32 v26  }
0x14d: {  	vm0 =	vmand vm1, vm0;
	vm1 =	vge.f32 v23, $-5.000000000e-01;
	v21 =	vcvt.f32.s32 v21  }
0x14e: {  	v22 =	vcvt.f32.s32 v25;
	vm0 =	vmand vm1, vm0;
	vm1 =	vlt.f32 v23, $2.555000000e+02  }
0x14f: {  	v23 =	vshll.u32 v24, $0x10;
	vm0 =	vmand vm1, vm0;
	v21 =	vshll.u32 v21, $0x8  }
0x150: {  	v21 =	vadd.s32 v23, v21;
	v23 =	vshll.u32 v22, $0x3;
	v24 =	vsel vm0, $0x20, v4  }
0x151: {  	v21 =	vadd.s32 v22, v21  }
0x152: {  	s0 =	sadd.s32 $0xFFFFFFD0, s31;
	v21 =	vshra.s32 v21, $0x2  }
0x153: {  	v22 =	vadd.s32 s0, v0;
	vm0 =	vgt.s32 v21, $0x0  }
0x154: {  	v25 =	vadd.s32 s0, v1;
	v21 =	vnsel vm0, $0x0, v21  }
0x155: {  	v26 =	vadd.s32 s0, v2;
	v23 =	vand.u32 $0x18, v23;
	v21 =	vmin.u32 v21, $0x3FFFFF  }
0x156: {  	v23 =	vor.u32 v23, v24;
	[tilespmem:s25+$0x10] =	vst v21  }
0x157: {  	[tilespmem:s26+$0x10] =	vst v23  }
0x158: {  	v21 =	vld.idx.msk [tilespmem:v22+s2+$0x0], $0xffff  }
0x159: {  	v22 =	vld.idx.msk [tilespmem:v25+s2+$0x0], $0xffff  }
0x15a: {  	v23 =	vld.idx.msk [tilespmem:v26+s2+$0x0], $0xffff;
	_ =	sdelay $0x3  }
0x15b: {  	v21 =	vmul.f32 v21, v15  }
0x15c: {  	v22 =	vmul.f32 v22, v17  }
0x15d: {  	v21 =	vadd.f32 v21, v16;
	v23 =	vmul.f32 v23, v19  }
0x15e: {  	v22 =	vadd.f32 v22, v18  }
0x15f: {  	v23 =	vadd.f32 v23, v20;
	vm0 =	vge.f32 v21, $-5.000000000e-01;
	v24 =	vadd.f32 $5.000000000e-01, v21  }
0x160: {  	vm1 =	vge.f32 v22, $-5.000000000e-01;
	vm2 =	vlt.f32 v22, $2.555000000e+02;
	v22 =	vadd.f32 $5.000000000e-01, v22  }
0x161: {  	vm3 =	vlt.f32 v23, $2.555000000e+02;
	v24 =	vtrunc.f32 v24;
	v25 =	vadd.f32 $5.000000000e-01, v23  }
0x162: {  	vm4 =	vlt.f32 v21, $2.555000000e+02;
	v21 =	vcvt.f32.s32 v24;
	v22 =	vtrunc.f32 v22  }
0x163: {  	vm0 =	vmand vm0, vm1;
	v22 =	vcvt.f32.s32 v22;
	v24 =	vtrunc.f32 v25  }
0x164: {  	vm1 =	vge.f32 v23, $-5.000000000e-01;
	vm0 =	vmand vm0, vm4;
	v21 =	vshll.u32 v21, $0x10  }
0x165: {  	vm0 =	vmand vm2, vm0;
	v23 =	vcvt.f32.s32 v24;
	v22 =	vshll.u32 v22, $0x8  }
0x166: {  	vm0 =	vmand vm1, vm0;
	v21 =	vadd.s32 v21, v22  }
0x167: {  	vm0 =	vmand vm3, vm0;
	v22 =	vshll.u32 v23, $0x3;
	v21 =	vadd.s32 v23, v21  }
0x168: {  	v22 =	vand.u32 $0x18, v22;
	v23 =	vsel vm0, $0x20, v4;
	v21 =	vshra.s32 v21, $0x2  }
0x169: {  	v22 =	vor.u32 v22, v23;
	v23 =	vadd.s32 s31, v0;
	vm0 =	vgt.s32 v21, $0x0  }
0x16a: {  	v24 =	vadd.s32 s31, v1;
	v21 =	vnsel vm0, $0x0, v21  }
0x16b: {  	v25 =	vadd.s32 s31, v2;
	v21 =	vmin.u32 v21, $0x3FFFFF  }
0x16c: {  	[tilespmem:s25+$0x20] =	vst v21  }
0x16d: {  	[tilespmem:s26+$0x20] =	vst v22  }
0x16e: {  	v21 =	vld.idx.msk [tilespmem:v23+s2+$0x0], $0xffff  }
0x16f: {  	v22 =	vld.idx.msk [tilespmem:v24+s2+$0x0], $0xffff  }
0x170: {  	v23 =	vld.idx.msk [tilespmem:v25+s2+$0x0], $0xffff;
	_ =	sdelay $0x1  }
.Ltmp0:
0x171: {  	(pc) =	sbr.rel @p0 .LBB2_3-.Ltmp0, $4  }
0x172: {  	_ = 	snop  }
0x173: {  	v21 =	vmul.f32 v21, v15  }
0x174: {  	v22 =	vmul.f32 v22, v17  }
0x175: {  	v21 =	vadd.f32 v21, v16;
	v23 =	vmul.f32 v23, v19  }
0x176: {  	v22 =	vadd.f32 v22, v18  }
0x177: {  	v23 =	vadd.f32 v23, v20  }
0x178: {  	v24 =	vadd.f32 $5.000000000e-01, v21;
	v25 =	vadd.f32 $5.000000000e-01, v22;
	_ =	sdelay $0x1  }
0x179: {  	v24 =	vtrunc.f32 v24;
	v26 =	vadd.f32 $5.000000000e-01, v23;
	v25 =	vtrunc.f32 v25  }
0x17a: {  	v24 =	vcvt.f32.s32 v24;
	v25 =	vcvt.f32.s32 v25  }
0x17b: {  	vm0 =	vge.f32 v21, $-5.000000000e-01;
	vm1 =	vge.f32 v22, $-5.000000000e-01;
	v26 =	vtrunc.f32 v26  }
0x17c: {  	v26 =	vcvt.f32.s32 v26;
	v24 =	vshll.u32 v24, $0x10;
	v25 =	vshll.u32 v25, $0x8  }
0x17d: {  	vm12 =	vlt.f32 v21, $2.555000000e+02;
	vm0 =	vmand vm0, vm1;
	v21 =	vadd.s32 v24, v25  }
0x17e: {  	vm2 =	vlt.f32 v22, $2.555000000e+02;
	vm0 =	vmand vm0, vm12;
	v21 =	vadd.s32 v26, v21  }
0x17f: {  	vm13 =	vge.f32 v23, $-5.000000000e-01;
	vm0 =	vmand vm2, vm0;
	v21 =	vshra.s32 v21, $0x2  }
0x180: {  	vm14 =	vlt.f32 v23, $2.555000000e+02;
	vm0 =	vmand vm13, vm0;
	vm15 =	vgt.s32 v21, $0x0  }
0x181: {  	vm0 =	vmand vm14, vm0;
	v22 =	vshll.u32 v26, $0x3;
	v21 =	vnsel vm15, $0x0, v21  }
0x182: {  	v23 =	vsel vm0, $0x20, v4;
	v22 =	vand.u32 $0x18, v22;
	v21 =	vmin.u32 v21, $0x3FFFFF  }
0x183: {  	v22 =	vor.u32 v22, v23;
	[tilespmem:s28+$0x30] =	vst v21  }
0x184: {  	s0 =	simm.s32 $0x1800;
	[tilespmem:s29+$0x30] =	vst v22  }
0x185: {  	[tilespmem:s13], [sflag:$0x1] =	stream.indirect.gather [hbm4b:s5+s11], $0x1, s0, s11, $0xb8;
	[tilespmem:$0x3280] =	vst v63  }
0x186: {  	s25 =	simm.s32 $0x2080;
	s28 =	simm.s32 $0x1880  }
0x187: {  	[tilespmem:s25], [sflag:$0x1] =	stream.indirect.gather [hbm4b:s5+s11], $0x1, s28, s11, $0xb8;
	[tilespmem:$0x3280] =	vst v63  }
0x188: {  	s30 =	simm.s32 $0x1900;
	s31 =	simm.s32 $0x2100  }
0x189: {  	[tilespmem:s31], [sflag:$0x1] =	stream.indirect.gather [hbm4b:s5+s11], $0x1, s30, s11, $0xb8;
	[tilespmem:$0x3280] =	vst v63  }
0x18a: {  	s26 =	simm.s32 $0x1980;
	s28 =	simm.s32 $0x2180  }
0x18b: {  	[tilespmem:s28], [sflag:$0x1] =	stream.indirect.gather [hbm4b:s5+s11], $0x1, s26, s11, $0xb8;
	[tilespmem:$0x3280] =	vst v63  }
0x18c: {  	s30 =	simm.s32 $0x1A00;
	s31 =	simm.s32 $0x2200  }
0x18d: {  	[tilespmem:s31], [sflag:$0x1] =	stream.indirect.gather [hbm4b:s5+s11], $0x1, s30, s11, $0xb8;
	[tilespmem:$0x3280] =	vst v63  }
0x18e: {  	s26 =	simm.s32 $0x1A80;
	s28 =	simm.s32 $0x2280  }
0x18f: {  	[tilespmem:s28], [sflag:$0x1] =	stream.indirect.gather [hbm4b:s5+s11], $0x1, s26, s11, $0xb8;
	[tilespmem:$0x3280] =	vst v63  }
0x190: {  	s30 =	simm.s32 $0x1B00;
	s31 =	simm.s32 $0x2300  }
0x191: {  	[tilespmem:s31], [sflag:$0x1] =	stream.indirect.gather [hbm4b:s5+s11], $0x1, s30, s11, $0xb8;
	[tilespmem:$0x3280] =	vst v63  }
0x192: {  	s26 =	simm.s32 $0x1B80;
	s28 =	simm.s32 $0x2380  }
0x193: {  	[tilespmem:s28], [sflag:$0x1] =	stream.indirect.gather [hbm4b:s5+s11], $0x1, s26, s11, $0xb8;
	[tilespmem:$0x3280] =	vst v63  }
0x194: {  	s30 =	simm.s32 $0x1C00;
	s31 =	simm.s32 $0x2400  }
0x195: {  	[tilespmem:s31], [sflag:$0x1] =	stream.indirect.gather [hbm4b:s5+s11], $0x1, s30, s11, $0xb8;
	[tilespmem:$0x3280] =	vst v63  }
0x196: {  	s25 =	simm.s32 $0x1C80;
	s26 =	simm.s32 $0x2480  }
0x197: {  	[tilespmem:s26], [sflag:$0x1] =	stream.indirect.gather [hbm4b:s5+s11], $0x1, s25, s11, $0xb8;
	[tilespmem:$0x3280] =	vst v63  }
0x198: {  	_ = 	snop  }
0x199: {  	[tilespmem:s9], [sflag:$0x1] =	stream.indirect.gather [hbm4b:s5+s11], $0x1, s1, s11, $0xb8;
	[tilespmem:$0x3280] =	vst v63  }
0x19a: {  	_ = 	snop  }
0x19b: {  	[tilespmem:s8], [sflag:$0x1] =	stream.indirect.gather [hbm4b:s5+s11], $0x1, s6, s11, $0xb8;
	[tilespmem:$0x3280] =	vst v63  }
0x19c: {  	_ = 	snop  }
0x19d: {  	[tilespmem:s14], [sflag:$0x1] =	stream.indirect.gather [hbm4b:s5+s11], $0x1, s12, s11, $0xb8;
	[tilespmem:$0x3280] =	vst v63  }
0x19e: {  	_ = 	snop  }
0x19f: {  	[tilespmem:s16], [sflag:$0x1] =	stream.indirect.gather [hbm4b:s5+s11], $0x1, s15, s11, $0xb8;
	[tilespmem:$0x3280] =	vst v63  }
0x1a0: {  	_ = 	snop  }
0x1a1: {  	[tilespmem:s18], [sflag:$0x1] =	stream.indirect.gather [hbm4b:s5+s11], $0x1, s17, s11, $0xb8;
	[tilespmem:$0x3280] =	vst v63  }
0x1a2: {  	_ = 	snop  }
0x1a3: {  	[tilespmem:s20], [sflag:$0x1] =	stream.indirect.gather [hbm4b:s5+s11], $0x1, s19, s11, $0xb8;
	[tilespmem:$0x3280] =	vst v63  }
0x1a4: {  	_ =	swait.ge [sflag:s21], $0x80  }
0x1a5: {  	[sflag:s21] =	ssyncset.done $0x0  }
0x1a6: {  	[sflag:s21] =	ssyncadd.s32 $0xFFFFFF80  }
0x1a7: {  	_ =	swait.ge [sflag:s21], $0x80  }
0x1a8: {  	[sflag:s21] =	ssyncset.done $0x0  }
0x1a9: {  	[sflag:s21] =	ssyncadd.s32 $0xFFFFFF80  }
0x1aa: {  	_ =	swait.ge [sflag:s21], $0x80  }
0x1ab: {  	[sflag:s21] =	ssyncset.done $0x0  }
0x1ac: {  	[sflag:s21] =	ssyncadd.s32 $0xFFFFFF80  }
0x1ad: {  	_ =	swait.ge [sflag:s21], $0x80  }
0x1ae: {  	[sflag:s21] =	ssyncset.done $0x0  }
0x1af: {  	[sflag:s21] =	ssyncadd.s32 $0xFFFFFF80  }
0x1b0: {  	_ =	swait.ge [sflag:s21], $0x80  }
0x1b1: {  	[sflag:s21] =	ssyncset.done $0x0  }
0x1b2: {  	[sflag:s21] =	ssyncadd.s32 $0xFFFFFF80  }
0x1b3: {  	_ =	swait.ge [sflag:s21], $0x80  }
0x1b4: {  	[sflag:s21] =	ssyncset.done $0x0  }
0x1b5: {  	[sflag:s21] =	ssyncadd.s32 $0xFFFFFF80  }
0x1b6: {  	_ =	swait.ge [sflag:s21], $0x80  }
0x1b7: {  	[sflag:s21] =	ssyncset.done $0x0  }
0x1b8: {  	[sflag:s21] =	ssyncadd.s32 $0xFFFFFF80  }
0x1b9: {  	_ =	swait.ge [sflag:s21], $0x80  }
0x1ba: {  	[sflag:s21] =	ssyncset.done $0x0  }
0x1bb: {  	[sflag:s21] =	ssyncadd.s32 $0xFFFFFF80  }
0x1bc: {  	_ =	swait.ge [sflag:s21], $0x80  }
0x1bd: {  	[sflag:s21] =	ssyncset.done $0x0  }
0x1be: {  	[sflag:s21] =	ssyncadd.s32 $0xFFFFFF80  }
0x1bf: {  	_ =	swait.ge [sflag:s21], $0x80  }
0x1c0: {  	[sflag:s21] =	ssyncset.done $0x0  }
0x1c1: {  	[sflag:s21] =	ssyncadd.s32 $0xFFFFFF80  }
0x1c2: {  	_ =	swait.ge [sflag:s21], $0x80  }
0x1c3: {  	[sflag:s21] =	ssyncset.done $0x0  }
0x1c4: {  	[sflag:s21] =	ssyncadd.s32 $0xFFFFFF80  }
0x1c5: {  	_ =	swait.ge [sflag:s21], $0x80  }
0x1c6: {  	[sflag:s21] =	ssyncset.done $0x0  }
0x1c7: {  	[sflag:s21] =	ssyncadd.s32 $0xFFFFFF80  }
0x1c8: {  	_ =	swait.ge [sflag:s21], $0x80  }
0x1c9: {  	s28 =	simm.s32 $0x0;
	[sflag:s21] =	ssyncset.done $0x0  }
0x1ca: {  	v21 =	vmov s28;
	[sflag:s21] =	ssyncadd.s32 $0xFFFFFF80  }
0x1cb: {  	v21 =	vshrl.u32 v21, $0x7;
	_ =	swait.ge [sflag:s21], $0x80  }
0x1cc: {  	v21 =	vshll.u32 v21, v7;
	[sflag:s21] =	ssyncset.done $0x0  }
0x1cd: {  	v28 =	vbroadcast v21, $0x0;
	[sflag:s21] =	ssyncadd.s32 $0xFFFFFF80  }
0x1ce: {  	_ =	swait.ge [sflag:s21], $0x80  }
0x1cf: {  	v21 =	vor.u32 v9, v28;
	[sflag:s21] =	ssyncset.done $0x0  }
0x1d0: {  	v22 =	vor.u32 v8, v28;
	[sflag:s21] =	ssyncadd.s32 $0xFFFFFF80  }
0x1d1: {  	_ =	swait.ge [sflag:s21], $0x80  }
0x1d2: {  	v23 =	vor.u32 v10, v28;
	[sflag:s21] =	ssyncset.done $0x0  }
0x1d3: {  	[sflag:s21] =	ssyncadd.s32 $0xFFFFFF80  }
0x1d4: {  	v24 =	vor.u32 v3, v28;
	v25 =	vld.idx.msk [tilespmem:v21+s22+$0x0], $0xffff  }
0x1d5: {  	v26 =	vld.idx.msk [tilespmem:v22+s22+$0x0], $0xffff  }
0x1d6: {  	v22 =	vld.idx.msk [tilespmem:v22+s13+$0x0], $0xffff  }
0x1d7: {  	v27 =	vld.idx.msk [tilespmem:v23+s22+$0x0], $0xffff  }
0x1d8: {  	s30 =	simm.s32 $0x40;
	v23 =	vld.idx.msk [tilespmem:v23+s13+$0x0], $0xffff  }
0x1d9: {  	v29 =	vmov s30;
	v30 =	vld.idx.msk [tilespmem:v24+s22+$0x0], $0xffff  }
0x1da: {  	s25 =	simm.s32 $0x80;
	v29 =	vshrl.u32 v29, $0x7;
	v24 =	vld.idx.msk [tilespmem:v24+s13+$0x0], $0xffff  }
0x1db: {  	v29 =	vshll.u32 v29, v7;
	v31 =	vmov s25;
	v21 =	vld.idx.msk [tilespmem:v21+s13+$0x0], $0xffff  }
0x1dc: {  	v32 =	vor.u32 v12, v28;
	v29 =	vbroadcast v29, $0x0;
	v31 =	vshrl.u32 v31, $0x7  }
0x1dd: {  	v31 =	vshll.u32 v31, v7;
	v33 =	vshrl.u32 v25, $0x5;
	v34 =	vand.u32 $0x1F, v26  }
0x1de: {  	v26 =	vshrl.u32 v26, $0x5;
	v63 =	vand.u32 $0x1F, v27;
	v25 =	vand.u32 $0x1F, v25  }
0x1df: {  	v35 =	vand.u32 $0x1F, v30;
	v27 =	vshrl.u32 v27, $0x5;
	v22 =	vshra.s32 v22, v34  }
0x1e0: {  	s31 =	simm.s32 $0xC0;
	v23 =	vshra.s32 v23, v63;
	v24 =	vshra.s32 v24, v35;
	v21 =	vshra.s32 v21, v25  }
0x1e1: {  	v25 =	vmov s31;
	v22 =	vand.u32 v26, v22;
	v26 =	vshra.s32 v30, $0x5  }
0x1e2: {  	v21 =	vand.u32 v33, v21;
	v22 =	vshll.u32 v22, $0x8;
	v24 =	vand.u32 v26, v24  }
0x1e3: {  	v23 =	vand.u32 v27, v23;
	v21 =	vshll.u32 v21, $0x10;
	v22 =	vor.u32 v24, v22  }
0x1e4: {  	v30 =	vor.u32 v14, v28;
	v23 =	vshll.u32 v23, $0x18;
	v22 =	vor.u32 v21, v22  }
0x1e5: {  	s29 =	simm.s32 $0x0;
	v33 =	vor.u32 v13, v28;
	v24 =	vshrl.u32 v25, $0x7;
	v22 =	vor.u32 v23, v22  }
0x1e6: {  	v21 =	vbroadcast v31, $0x0;
	v24 =	vshll.u32 v24, v7;
	[tilespmem:s29+$0x3000] =	vst v22  }
0x1e7: {  	v27 =	vor.u32 v11, v29;
	v29 =	vbroadcast v24, $0x0;
	v31 =	vld.idx.msk [tilespmem:v32+s22+$0x0], $0xffff  }
0x1e8: {  	v23 =	vor.u32 v3, v21;
	v25 =	vor.u32 v8, v21;
	v24 =	vor.u32 v9, v21;
	v32 =	vld.idx.msk [tilespmem:v32+s13+$0x0], $0xffff  }
0x1e9: {  	s26 =	simm.s32 $0x100;
	v26 =	vor.u32 v10, v21;
	v22 =	vor.u32 v12, v21;
	v28 =	vor.u32 v11, v29;
	v29 =	vld.idx.msk [tilespmem:v30+s22+$0x0], $0xffff  }
.LBB2_5:
0x1ea: {  	p0 =	sne.s32 s26, $0x780;
	v34 =	vld.idx.msk [tilespmem:v33+s13+$0x0], $0xffff;
	s28 =	smov.u32 s26;
	s26 =	sadd.s32 $0x80, s26  }
0x1eb: {  	v35 =	vmov s28;
	v33 =	vld.idx.msk [tilespmem:v33+s22+$0x0], $0xffff  }
0x1ec: {  	v35 =	vshrl.u32 v35, $0x7;
	v36 =	vld.idx.msk [tilespmem:v27+s22+$0x0], $0xffff  }
0x1ed: {  	v38 =	vand.u32 $0x1F, v31;
	v35 =	vshll.u32 v35, v7;
	v37 =	vld.idx.msk [tilespmem:v27+s13+$0x0], $0xffff;
	v27 =	vmov v28  }
0x1ee: {  	v31 =	vshrl.u32 v31, $0x5;
	v32 =	vshra.s32 v32, v38;
	v28 =	vbroadcast v35, $0x0;
	v30 =	vld.idx.msk [tilespmem:v30+s13+$0x0], $0xffff  }
0x1ef: {  	v31 =	vand.u32 v31, v32;
	v32 =	vand.u32 $0x1F, v29  }
0x1f0: {  	v31 =	vshll.u32 v31, $0x8;
	v35 =	vor.u32 v3, v28;
	v38 =	vor.u32 v8, v28  }
0x1f1: {  	v39 =	vor.u32 v9, v28;
	v40 =	vor.u32 v10, v28;
	v41 =	vand.u32 $0x1F, v33  }
0x1f2: {  	v33 =	vshrl.u32 v33, $0x5;
	v42 =	vand.u32 $0x1F, v36;
	v34 =	vshra.s32 v34, v41  }
0x1f3: {  	v36 =	vshra.s32 v36, $0x5;
	v37 =	vshra.s32 v37, v42;
	v33 =	vand.u32 v33, v34  }
0x1f4: {  	v29 =	vshrl.u32 v29, $0x5;
	v34 =	vand.u32 v36, v37;
	v30 =	vshra.s32 v30, v32  }
0x1f5: {  	v29 =	vand.u32 v29, v30;
	v30 =	vor.u32 v34, v31;
	v31 =	vshll.u32 v33, $0x10  }
0x1f6: {  	v30 =	vor.u32 v31, v30;
	v29 =	vshll.u32 v29, $0x18  }
0x1f7: {  	v29 =	vor.u32 v29, v30  }
0x1f8: {  	[tilespmem:s29+$0x3010] =	vst v29  }
0x1f9: {  	v29 =	vld.idx.msk [tilespmem:v24+s22+$0x0], $0xffff  }
0x1fa: {  	v30 =	vld.idx.msk [tilespmem:v25+s22+$0x0], $0xffff  }
0x1fb: {  	v31 =	vld.idx.msk [tilespmem:v25+s13+$0x0], $0xffff;
	v25 =	vmov v38  }
0x1fc: {  	v32 =	vld.idx.msk [tilespmem:v26+s22+$0x0], $0xffff  }
0x1fd: {  	v33 =	vld.idx.msk [tilespmem:v26+s13+$0x0], $0xffff;
	v26 =	vmov v40  }
0x1fe: {  	v34 =	vld.idx.msk [tilespmem:v23+s22+$0x0], $0xffff  }
0x1ff: {  	v36 =	vld.idx.msk [tilespmem:v23+s13+$0x0], $0xffff;
	v23 =	vmov v35  }
0x200: {  	v35 =	vld.idx.msk [tilespmem:v24+s13+$0x0], $0xffff;
	v24 =	vmov v39  }
0x201: {  	v37 =	vshrl.u32 v29, $0x5  }
0x202: {  	v38 =	vor.u32 v12, v28;
	v39 =	vand.u32 $0x1F, v30;
	v30 =	vshrl.u32 v30, $0x5  }
0x203: {  	v29 =	vand.u32 $0x1F, v29;
	v31 =	vshra.s32 v31, v39;
	v39 =	vand.u32 $0x1F, v32  }
0x204: {  	v32 =	vshrl.u32 v32, $0x5;
	v33 =	vshra.s32 v33, v39;
	v40 =	vand.u32 $0x1F, v34  }
0x205: {  	s0 =	sadd.s32 $0x40, s28;
	v30 =	vand.u32 v30, v31;
	v31 =	vand.u32 v32, v33;
	v36 =	vshra.s32 v36, v40  }
0x206: {  	v32 =	vshra.s32 v34, $0x5;
	v30 =	vshll.u32 v30, $0x8;
	v29 =	vshra.s32 v35, v29  }
0x207: {  	v33 =	vmov s0;
	v32 =	vand.u32 v32, v36;
	v29 =	vand.u32 v37, v29  }
0x208: {  	v33 =	vshrl.u32 v33, $0x7;
	v31 =	vshll.u32 v31, $0x18;
	v30 =	vor.u32 v32, v30  }
0x209: {  	v32 =	vshll.u32 v33, v7;
	v29 =	vshll.u32 v29, $0x10  }
0x20a: {  	v32 =	vbroadcast v32, $0x0;
	v29 =	vor.u32 v29, v30;
	v30 =	vor.u32 v14, v21  }
.Ltmp1:
0x20b: {  	s29 =	sshra.s32 s25, $0x2;
	s25 =	smov.u32 s28;
	v33 =	vor.u32 v13, v21;
	v21 =	vmov v28;
	v29 =	vor.u32 v31, v29;
	(pc) =	sbr.rel @p0 .LBB2_5-.Ltmp1, $4  }
0x20c: {  	v28 =	vor.u32 v11, v32;
	[tilespmem:s29+$0x3000] =	vst v29  }
0x20d: {  	v31 =	vld.idx.msk [tilespmem:v22+s22+$0x0], $0xffff  }
0x20e: {  	v32 =	vld.idx.msk [tilespmem:v22+s13+$0x0], $0xffff;
	v22 =	vmov v38  }
0x20f: {  	v29 =	vld.idx.msk [tilespmem:v30+s22+$0x0], $0xffff  }
0x210: {  	_ =	sdelay $0x3  }
0x211: {  	v34 =	vld.idx.msk [tilespmem:v33+s13+$0x0], $0xffff  }
0x212: {  	v59 =	vld.idx.msk [tilespmem:v33+s22+$0x0], $0xffff  }
0x213: {  	v35 =	vld.idx.msk [tilespmem:v27+s22+$0x0], $0xffff  }
0x214: {  	v60 =	vld.idx.msk [tilespmem:v27+s13+$0x0], $0xffff;
	v36 =	vand.u32 $0x1F, v31  }
0x215: {  	v30 =	vld.idx.msk [tilespmem:v30+s13+$0x0], $0xffff;
	v61 =	vshrl.u32 v31, $0x5;
	v32 =	vshra.s32 v32, v36  }
0x216: {  	v31 =	vand.u32 v61, v32  }
0x217: {  	v62 =	vand.u32 $0x1F, v29;
	v40 =	vshrl.u32 v29, $0x5;
	v31 =	vshll.u32 v31, $0x8  }
0x218: {  	v63 =	vand.u32 $0x1F, v59;
	v37 =	vand.u32 $0x1F, v35;
	v33 =	vshrl.u32 v59, $0x5  }
0x219: {  	v35 =	vshra.s32 v35, $0x5;
	v34 =	vshra.s32 v34, v63;
	v27 =	vshra.s32 v60, v37  }
0x21a: {  	v30 =	vshra.s32 v30, v62;
	v33 =	vand.u32 v33, v34;
	v27 =	vand.u32 v35, v27  }
0x21b: {  	v29 =	vand.u32 v40, v30;
	v27 =	vor.u32 v27, v31;
	v41 =	vshll.u32 v33, $0x10  }
0x21c: {  	v29 =	vshll.u32 v29, $0x18;
	v27 =	vor.u32 v41, v27  }
0x21d: {  	v27 =	vor.u32 v29, v27  }
0x21e: {  	[tilespmem:s29+$0x3010] =	vst v27  }
0x21f: {  	v27 =	vld.idx.msk [tilespmem:v24+s22+$0x0], $0xffff  }
0x220: {  	v42 =	vld.idx.msk [tilespmem:v25+s22+$0x0], $0xffff  }
0x221: {  	v43 =	vld.idx.msk [tilespmem:v25+s13+$0x0], $0xffff  }
0x222: {  	v44 =	vld.idx.msk [tilespmem:v26+s22+$0x0], $0xffff  }
0x223: {  	v45 =	vld.idx.msk [tilespmem:v26+s13+$0x0], $0xffff  }
0x224: {  	v46 =	vld.idx.msk [tilespmem:v23+s22+$0x0], $0xffff  }
0x225: {  	v23 =	vld.idx.msk [tilespmem:v23+s13+$0x0], $0xffff  }
0x226: {  	v47 =	vld.idx.msk [tilespmem:v24+s13+$0x0], $0xffff  }
0x227: {  	v54 =	vor.u32 v14, v21;
	v48 =	vand.u32 $0x1F, v42  }
0x228: {  	v49 =	vshrl.u32 v27, $0x5;
	v29 =	vshrl.u32 v42, $0x5;
	v27 =	vand.u32 $0x1F, v27  }
0x229: {  	v50 =	vand.u32 $0x1F, v44;
	v51 =	vand.u32 $0x1F, v46;
	v30 =	vshrl.u32 v44, $0x5  }
0x22a: {  	v52 =	vshra.s32 v46, $0x5;
	v25 =	vshra.s32 v43, v48;
	v26 =	vshra.s32 v45, v50  }
0x22b: {  	v23 =	vshra.s32 v23, v51;
	v24 =	vshra.s32 v47, v27;
	v25 =	vand.u32 v29, v25  }
0x22c: {  	v23 =	vand.u32 v52, v23;
	v24 =	vand.u32 v49, v24;
	v25 =	vshll.u32 v25, $0x8  }
0x22d: {  	v26 =	vand.u32 v30, v26;
	v24 =	vshll.u32 v24, $0x10;
	v23 =	vor.u32 v23, v25  }
0x22e: {  	v21 =	vor.u32 v13, v21;
	v53 =	vshll.u32 v26, $0x18;
	v23 =	vor.u32 v24, v23  }
0x22f: {  	s0 =	sshra.s32 s25, $0x2;
	v23 =	vor.u32 v53, v23  }
0x230: {  	[tilespmem:s0+$0x3000] =	vst v23  }
0x231: {  	v23 =	vld.idx.msk [tilespmem:v22+s22+$0x0], $0xffff  }
0x232: {  	v22 =	vld.idx.msk [tilespmem:v22+s13+$0x0], $0xffff  }
0x233: {  	v56 =	vld.idx.msk [tilespmem:v21+s13+$0x0], $0xffff  }
0x234: {  	v21 =	vld.idx.msk [tilespmem:v21+s22+$0x0], $0xffff  }
0x235: {  	v57 =	vld.idx.msk [tilespmem:v28+s22+$0x0], $0xffff  }
0x236: {  	v55 =	vld.idx.msk [tilespmem:v54+s22+$0x0], $0xffff  }
0x237: {  	v58 =	vld.idx.msk [tilespmem:v28+s13+$0x0], $0xffff;
	_ =	sdelay $0x1  }
0x238: {  	v24 =	vld.idx.msk [tilespmem:v54+s13+$0x0], $0xffff;
	v59 =	vand.u32 $0x1F, v23  }
0x239: {  	v23 =	vshrl.u32 v23, $0x5;
	v60 =	vand.u32 $0x1F, v21;
	v61 =	vand.u32 $0x1F, v57  }
0x23a: {  	v21 =	vshrl.u32 v21, $0x5;
	v27 =	vshra.s32 v57, $0x5;
	v63 =	vshrl.u32 v55, $0x5  }
0x23b: {  	v22 =	vshra.s32 v22, v59;
	v26 =	vshra.s32 v56, v60;
	v28 =	vshra.s32 v58, v61  }
0x23c: {  	v22 =	vand.u32 v23, v22;
	v23 =	vand.u32 $0x1F, v55;
	v21 =	vand.u32 v21, v26  }
0x23d: {  	v62 =	vand.u32 v27, v28;
	v22 =	vshll.u32 v22, $0x8;
	v23 =	vshra.s32 v24, v23  }
0x23e: {  	v21 =	vshll.u32 v21, $0x10;
	v23 =	vand.u32 v63, v23;
	v22 =	vor.u32 v62, v22  }
0x23f: {  	s30 =	sshll.u32 s24, $0x6;
	s24 =	sadd.s32 $0x1, s24;
	v21 =	vor.u32 v21, v22;
	v22 =	vshll.u32 v23, $0x18  }
0x240: {  	p0 =	sne.s32 s24, $0x40;
	v21 =	vor.u32 v22, v21  }
.Ltmp2:
0x241: {  	s31 =	sadd.s32 s30, s7;
	[tilespmem:s0+$0x3010] =	vst v21;
	(pc) =	sbr.rel @p0 .LBB2_2-.Ltmp2, $4  }
0x242: {  	[hbm4b:s31+s2] =	stream.linear.scatter [tilespmem:s23], [sflag:$0x2], $0x200, $0x38;
	[tilespmem:$0x3280] =	vst v63  }
0x243: {  	_ =	swait.ge [sflag:s10], $0x200  }
0x244: {  	[sflag:s10] =	ssyncset.done $0x0  }
0x245: {  	[sflag:s10] =	ssyncadd.s32 $0xFFFFFE00  }
0x246: {  	s24 =	rddreg [dreg:$0x5]  }
0x247: {  	s0 =	rddreg [dreg:$0x4];
	s24 =	sadd.s32 $0x1, s24  }
0x248: {  	p0 =	sne.s32 s24, s0  }
.Ltmp3:
0x249: {  	_ = 	snop;
	(pc) =	sbr.rel @p0 .LBB2_1-.Ltmp3, $1  }
0x24a: {  	_ =	sdelay $0x3  }
0x24b: {  	_ =	sfence.sel $0x180000  }
0x24c: {  	[bflag:$0x0] =	sbarrier.arrive $0xFFFF  }
0x24d: {  	_ =	strace $0x90000047  }
0x24e: {  	s0 =	stileid.u32;
	[bflag:$0x2] =	sbarrier.arrive $0xFFFF  }
0x24f: {  	p0 =	sne.s32 s0, $0x0;
	s0 =	rddreg [dreg:$0x2]  }
0x250: {  	s0 =	sadd.s32 @!p0 $0x100000, s0  }
0x251: {  	[sflag:s0] =	ssyncadd.tile.s32 @!p0 $0x1;
	_ =	shalt  }
.Lfunc_end2:
_tile_overlayer_lowered:
.L_overlay_start_2:
0x252: {  	(tag) =	ssettag $0x2  }
0x253: {  	s0 =	rddreg [dreg:$0x0];
	s2 =	stileid.u32  }
0x254: {  	s1 =	rddreg [dreg:$0x1];
	p0 =	sne.s32 s2, $0x0  }
0x255: {  	s3 =	rddreg [dreg:$0x2];
	[bflag:$0x3] =	sbarrier.arrive $0xFFFF;
	s2 =	simm.s32 @!p0 $0x1C02  }
0x256: {  	[timem:s3], [sflag:s2] =	dma.local @!p0 [hbm:s0], s1  }
0x257: {  	s0 =	simm.s32 @!p0 $0x2  }
0x258: {  	_ =	swait.ge @!p0 [sflag:s0], s1  }
0x259: {  	s1 =	ssub.s32 @!p0 $0x0, s1;
	[sflag:s0] =	ssyncset.done @!p0 $0x0  }
0x25a: {  	[sflag:s0] =	ssyncadd.s32 @!p0 s1  }
0x25b: {  	[bflag:$0x3] =	sbarrier.arrive $0xFFFF  }
0x25c: {  	_ =	shalt  }

</sc_bundles>
